<compile_context>
chip_gen: v7x
topology: tpu7x:2x2x1
jax: 0.10.2.dev20260603
libtpu: 0.0.44.dev20260713+nightly
codegen_flags: <defaults>
</compile_context>

<pallas_src>
import functools

import jax
import jax.numpy as jnp
from jax.experimental import pallas as pl

D, H, C, N_OPT = 64, 4, 16, 5
BG = 8


def _body(xw_ref, ea_ref, s_ref, dm_ref, dmt_ref, g2_ref, g2t_ref,
          gm_ref, gmt_ref, attr_ref, opt_ref, prior_ref,
          lw_l_ref, lb_l_ref, lw_r_ref, lb_r_ref, att_ref, wedge_ref,
          bias_ref, lng_ref, lnb_ref,
          w1_ref, b1_ref, w2_ref, b2_ref,
          hat_ref, rel_ref, fsc_ref, *, n_layers):
    xw = xw_ref[0]
    ea = ea_ref[...]

    tok = jnp.zeros(attr_ref.shape, jnp.float32)
    for o in range(N_OPT):
        tok = tok + jnp.where(xw == o, opt_ref[o], 0.0)
    tok = (attr_ref[...] + tok) * prior_ref[...]

    S = s_ref[...]
    Dm = dm_ref[...]
    DmT = dmt_ref[...]
    G2 = g2_ref[...]
    G2T = g2t_ref[...]
    Gm = gm_ref[...]
    GmT = gmt_ref[...]

    h = tok
    for li in range(n_layers):
        xlw = jnp.dot(h, lw_l_ref[li], preferred_element_type=jnp.float32) + lb_l_ref[li]
        xrw = jnp.dot(h, lw_r_ref[li], preferred_element_type=jnp.float32) + lb_r_ref[li]
        xls = jnp.dot(S, xlw, preferred_element_type=jnp.float32)
        xrd = jnp.dot(Dm, xrw, preferred_element_type=jnp.float32)
        e = xls + xrd + ea * wedge_ref[li]
        e = jnp.where(e >= 0, e, 0.2 * e)
        ew = e * att_ref[li]
        alpha = jnp.dot(ew, G2, preferred_element_type=jnp.float32)
        amax = jnp.max(alpha, axis=0, keepdims=True)
        ex = jnp.exp(alpha - amax)
        den = jnp.dot(DmT, ex, preferred_element_type=jnp.float32)
        den_e = jnp.dot(Dm, den, preferred_element_type=jnp.float32)
        a = ex / (den_e + 1e-16)
        a_exp = jnp.dot(a, G2T, preferred_element_type=jnp.float32)
        msg = xls * a_exp
        hh = jnp.dot(DmT, msg, preferred_element_type=jnp.float32) + bias_ref[li]
        mu = jnp.dot(jnp.dot(hh, Gm, preferred_element_type=jnp.float32) * (1.0 / D),
                     GmT, preferred_element_type=jnp.float32)
        ctr = hh - mu
        var = jnp.dot(jnp.dot(ctr * ctr, Gm, preferred_element_type=jnp.float32) * (1.0 / D),
                      GmT, preferred_element_type=jnp.float32)
        hh = ctr * jax.lax.rsqrt(var + 1e-5) * lng_ref[li] + lnb_ref[li]
        hh = jnp.where(hh > 0, hh, jnp.exp(jnp.minimum(hh, 0.0)) - 1.0)
        h = h + hh

    hat = jnp.concatenate([tok, h], axis=1)
    z = jnp.dot(hat, w1_ref[...], preferred_element_type=jnp.float32) + b1_ref[...]
    z = jnp.maximum(z, 0.0)
    logit = jnp.dot(z * w2_ref[...], Gm, preferred_element_type=jnp.float32) + b2_ref[...]
    relg = 1.0 / (1.0 + jnp.exp(-logit))
    rel_full = jnp.dot(relg, GmT, preferred_element_type=jnp.float32)

    wgt = h * rel_full
    ones_n = jnp.ones((1, wgt.shape[0]), jnp.float32)
    num = jnp.dot(ones_n, wgt, preferred_element_type=jnp.float32)
    den_r = jnp.dot(ones_n, rel_full, preferred_element_type=jnp.float32)
    fsc = num / (den_r + 1e-8)

    hat_ref[0] = hat
    rel_ref[0] = relg
    fsc_ref[0] = fsc


def kernel(x, edge_index, edge_attr, params):
    B, N = x.shape
    E = edge_attr.shape[0]
    n_layers = len(params['layers'])
    NB = B // BG
    W = BG * D

    f32 = jnp.float32
    src = edge_index[0]
    dst = edge_index[1]
    S = jax.nn.one_hot(src, N, dtype=f32)
    Dm = jax.nn.one_hot(dst, N, dtype=f32)
    DmT = Dm.T
    eyeBG = jnp.eye(BG, dtype=f32)
    G2 = jnp.kron(jnp.eye(BG * H, dtype=f32), jnp.ones((C, 1), f32))
    G2T = G2.T
    Gm = jnp.kron(eyeBG, jnp.ones((D, 1), f32))
    GmT = Gm.T

    xw = (x.astype(jnp.int8)
          .reshape(NB, BG, N).transpose(0, 2, 1))
    xw = jnp.repeat(xw, D, axis=2)
    opt_w = jnp.tile(jnp.transpose(params['opt_emb'], (1, 0, 2)), (1, 1, BG))
    attr_w = jnp.tile(params['attr_emb'], (1, BG))
    prior_w = params['prior']

    L = params['layers']

    def bd(w):
        return jnp.kron(eyeBG, w)

    lw_l = jnp.stack([bd(lp['lin_l_w']) for lp in L])
    lb_l = jnp.stack([jnp.tile(lp['lin_l_b'].reshape(1, D), (1, BG)) for lp in L])
    lw_r = jnp.stack([bd(lp['lin_r_w']) for lp in L])
    lb_r = jnp.stack([jnp.tile(lp['lin_r_b'].reshape(1, D), (1, BG)) for lp in L])
    att = jnp.stack([jnp.tile(lp['att'].reshape(1, D), (1, BG)) for lp in L])
    wedge = jnp.stack([jnp.tile(lp['lin_edge_w'].reshape(1, D), (1, BG)) for lp in L])
    bias = jnp.stack([jnp.tile(lp['bias'].reshape(1, D), (1, BG)) for lp in L])
    lng = jnp.stack([jnp.tile(lp['ln_g'].reshape(1, D), (1, BG)) for lp in L])
    lnb = jnp.stack([jnp.tile(lp['ln_b'].reshape(1, D), (1, BG)) for lp in L])

    w1 = params['rel_w1']
    w1big = jnp.concatenate([bd(w1[:D]), bd(w1[D:])], axis=0)
    b1 = jnp.tile(params['rel_b1'].reshape(1, D), (1, BG))
    w2 = jnp.tile(params['rel_w2'].reshape(1, D), (1, BG))
    b2 = params['rel_b2'].reshape(1, 1)

    def full(a):
        return pl.BlockSpec(a.shape, lambda i: (0,) * a.ndim)

    consts = [edge_attr, S, Dm, DmT, G2, G2T, Gm, GmT, attr_w, opt_w, prior_w,
              lw_l, lb_l, lw_r, lb_r, att, wedge, bias, lng, lnb,
              w1big, b1, w2, b2]

    out_shapes = [
        jax.ShapeDtypeStruct((NB, N, 2 * W), f32),
        jax.ShapeDtypeStruct((NB, N, BG), f32),
        jax.ShapeDtypeStruct((NB, 1, W), f32),
    ]
    out_specs = [
        pl.BlockSpec((1, N, 2 * W), lambda i: (i, 0, 0)),
        pl.BlockSpec((1, N, BG), lambda i: (i, 0, 0)),
        pl.BlockSpec((1, 1, W), lambda i: (i, 0, 0)),
    ]

    hat, rel, fsc = pl.pallas_call(
        functools.partial(_body, n_layers=n_layers),
        grid=(NB,),
        in_specs=[pl.BlockSpec((1, N, W), lambda i: (i, 0, 0))] + [full(a) for a in consts],
        out_specs=out_specs,
        out_shape=out_shapes,
    )(xw, *consts)

    hat5 = hat.reshape(NB, N, 2, BG, D)
    hat_T = hat5.transpose(0, 3, 1, 2, 4).reshape(B, N, 2 * D)
    rel_out = rel.transpose(0, 2, 1).reshape(B, N)
    f_scale = fsc.reshape(B, D)
    return (f_scale, rel_out, hat_T)

# --- scband reference (transcript-rebuilt; emitter-appended) ---
"""Pipeline reference for scband-scale-gatencoder-35150012351254 (READ-ONLY COPY).

The authoritative reference and input builder live on the scoring server;
editing this copy changes nothing except your own understanding.
"""

import jax, jax.numpy as jnp
import numpy as np

B, N_ATTRS, D, H, E, N_OPT, N_LAYERS = 1024, 100, 64, 4, 800, 5, 2
C = D // H

def setup_inputs(seed: int = 0) -> dict:
    key = jax.random.key(seed)
    ks = jax.random.split(key, 40)
    def p(k, shape, s=0.05):
        return jax.random.normal(k, shape, dtype=jnp.float32) * s
    x = jax.random.randint(ks[0], (B, N_ATTRS), 0, N_OPT)
    edge_index = jax.random.randint(ks[1], (2, E), 0, N_ATTRS)
    edge_attr = jax.random.uniform(ks[2], (E, 1), dtype=jnp.float32)
    layers = []
    for li in range(N_LAYERS):
        kk = jax.random.split(ks[10 + li], 8)
        layers.append({
            'lin_l_w': p(kk[0], (D, H * C)), 'lin_l_b': jnp.zeros((H * C,), jnp.float32),
            'lin_r_w': p(kk[1], (D, H * C)), 'lin_r_b': jnp.zeros((H * C,), jnp.float32),
            'att': p(kk[2], (H, C)),
            'lin_edge_w': p(kk[3], (1, H * C)),
            'bias': jnp.zeros((H * C,), jnp.float32),
            'ln_g': jnp.ones((D,), jnp.float32), 'ln_b': jnp.zeros((D,), jnp.float32),
        })
    params = {
        'attr_emb': p(ks[3], (N_ATTRS, D)),
        'opt_emb': p(ks[4], (N_ATTRS, N_OPT, D)),
        'prior': jnp.ones((N_ATTRS, 1), jnp.float32),
        'layers': layers,
        'rel_w1': p(ks[5], (2 * D, D)), 'rel_b1': jnp.zeros((D,), jnp.float32),
        'rel_w2': p(ks[6], (D, 1)), 'rel_b2': jnp.zeros((1,), jnp.float32),
    }
    return {'x': x, 'edge_index': edge_index, 'edge_attr': edge_attr, 'params': params}

def _layer_norm(h, g, b):
    mu = h.mean(-1, keepdims=True)
    var = ((h - mu) ** 2).mean(-1, keepdims=True)
    return (h - mu) / jnp.sqrt(var + 1e-5) * g + b

def _gatv2(h, src, dst, ea, lp, n_nodes):
    xl = (h @ lp['lin_l_w'] + lp['lin_l_b']).reshape(n_nodes, H, C)
    xr = (h @ lp['lin_r_w'] + lp['lin_r_b']).reshape(n_nodes, H, C)
    ee = (ea @ lp['lin_edge_w']).reshape(-1, H, C)
    e = jax.nn.leaky_relu(xl[src] + xr[dst] + ee, 0.2)
    alpha = (e * lp['att'][None]).sum(-1)
    amax = jax.lax.stop_gradient(jax.ops.segment_max(alpha, dst, num_segments=n_nodes))
    amax = jnp.where(jnp.isfinite(amax), amax, 0.0)
    ex = jnp.exp(alpha - amax[dst])
    den = jax.ops.segment_sum(ex, dst, num_segments=n_nodes)
    a = ex / (den[dst] + 1e-16)
    out = jax.ops.segment_sum(xl[src] * a[:, :, None], dst, num_segments=n_nodes)
    return out.reshape(n_nodes, H * C) + lp['bias']

def reference(x, edge_index, edge_attr, params):
    b, n = x.shape
    val = params['opt_emb'][jnp.arange(n)[None, :], x]
    tokens = (params['attr_emb'][None] + val) * params['prior'][None]
    n_tot = b * n
    h = tokens.reshape(n_tot, D)
    off = jnp.arange(b) * n
    src = (edge_index[0][None, :] + off[:, None]).reshape(-1)
    dst = (edge_index[1][None, :] + off[:, None]).reshape(-1)
    ea = jnp.tile(edge_attr, (b, 1))
    for lp in params['layers']:
        hh = _gatv2(h, src, dst, ea, lp, n_tot)
        hh = _layer_norm(hh, lp['ln_g'], lp['ln_b'])
        hh = jax.nn.elu(hh)
        h = h + hh  # dropout is identity at inference
    TL = h.reshape(b, n, D)
    hat_T = jnp.concatenate([tokens, TL], axis=-1)
    rel = jax.nn.sigmoid(jax.nn.relu(hat_T @ params['rel_w1'] + params['rel_b1']) @ params['rel_w2'] + params['rel_b2'])[..., 0]
    r_w = rel[..., None]
    f_scale = (TL * r_w).sum(axis=1) / (r_w.sum(axis=1) + 1e-8)
    return (f_scale, rel, hat_T)

if __name__ == "__main__":
    import jax
    _d = setup_inputs()
    print(jax.jit(kernel)(*tuple(_d.values())))

</pallas_src>

<mosaic_0001>
module attributes {stable_mosaic.version = 14 : i64} {
  func.func @_body(%arg0: i32, %arg1: memref<1x100x512xi8, #tpu.memory_space<vmem>>, %arg2: memref<800x1xf32, #tpu.memory_space<vmem>>, %arg3: memref<800x100xf32, #tpu.memory_space<vmem>>, %arg4: memref<800x100xf32, #tpu.memory_space<vmem>>, %arg5: memref<100x800xf32, #tpu.memory_space<vmem>>, %arg6: memref<512x32xf32, #tpu.memory_space<vmem>>, %arg7: memref<32x512xf32, #tpu.memory_space<vmem>>, %arg8: memref<512x8xf32, #tpu.memory_space<vmem>>, %arg9: memref<8x512xf32, #tpu.memory_space<vmem>>, %arg10: memref<100x512xf32, #tpu.memory_space<vmem>>, %arg11: memref<5x100x512xf32, #tpu.memory_space<vmem>>, %arg12: memref<100x1xf32, #tpu.memory_space<vmem>>, %arg13: memref<2x512x512xf32, #tpu.memory_space<vmem>>, %arg14: memref<2x1x512xf32, #tpu.memory_space<vmem>>, %arg15: memref<2x512x512xf32, #tpu.memory_space<vmem>>, %arg16: memref<2x1x512xf32, #tpu.memory_space<vmem>>, %arg17: memref<2x1x512xf32, #tpu.memory_space<vmem>>, %arg18: memref<2x1x512xf32, #tpu.memory_space<vmem>>, %arg19: memref<2x1x512xf32, #tpu.memory_space<vmem>>, %arg20: memref<2x1x512xf32, #tpu.memory_space<vmem>>, %arg21: memref<2x1x512xf32, #tpu.memory_space<vmem>>, %arg22: memref<1024x512xf32, #tpu.memory_space<vmem>>, %arg23: memref<1x512xf32, #tpu.memory_space<vmem>>, %arg24: memref<1x512xf32, #tpu.memory_space<vmem>>, %arg25: memref<1x1xf32, #tpu.memory_space<vmem>>, %arg26: memref<1x100x1024xf32, #tpu.memory_space<vmem>>, %arg27: memref<1x100x8xf32, #tpu.memory_space<vmem>>, %arg28: memref<1x1x512xf32, #tpu.memory_space<vmem>>) attributes {dimension_semantics = [#tpu.dimension_semantics<arbitrary>], iteration_bounds = array<i64: 128>, scalar_prefetch = 0 : i64, scratch_operands = 0 : i64, tpu.core_type = #tpu.core_type<tc>, window_params = [{transform_indices = @transform_0, window_bounds = array<i64: 1, 100, 512>}, {pipeline_mode = #tpu.pipeline_mode<synchronous>, transform_indices = @transform_1, window_bounds = array<i64: 800, 1>}, {pipeline_mode = #tpu.pipeline_mode<synchronous>, transform_indices = @transform_2, window_bounds = array<i64: 800, 100>}, {pipeline_mode = #tpu.pipeline_mode<synchronous>, transform_indices = @transform_3, window_bounds = array<i64: 800, 100>}, {pipeline_mode = #tpu.pipeline_mode<synchronous>, transform_indices = @transform_4, window_bounds = array<i64: 100, 800>}, {pipeline_mode = #tpu.pipeline_mode<synchronous>, transform_indices = @transform_5, window_bounds = array<i64: 512, 32>}, {pipeline_mode = #tpu.pipeline_mode<synchronous>, transform_indices = @transform_6, window_bounds = array<i64: 32, 512>}, {pipeline_mode = #tpu.pipeline_mode<synchronous>, transform_indices = @transform_7, window_bounds = array<i64: 512, 8>}, {pipeline_mode = #tpu.pipeline_mode<synchronous>, transform_indices = @transform_8, window_bounds = array<i64: 8, 512>}, {pipeline_mode = #tpu.pipeline_mode<synchronous>, transform_indices = @transform_9, window_bounds = array<i64: 100, 512>}, {pipeline_mode = #tpu.pipeline_mode<synchronous>, transform_indices = @transform_10, window_bounds = array<i64: 5, 100, 512>}, {pipeline_mode = #tpu.pipeline_mode<synchronous>, transform_indices = @transform_11, window_bounds = array<i64: 100, 1>}, {pipeline_mode = #tpu.pipeline_mode<synchronous>, transform_indices = @transform_12, window_bounds = array<i64: 2, 512, 512>}, {pipeline_mode = #tpu.pipeline_mode<synchronous>, transform_indices = @transform_13, window_bounds = array<i64: 2, 1, 512>}, {pipeline_mode = #tpu.pipeline_mode<synchronous>, transform_indices = @transform_14, window_bounds = array<i64: 2, 512, 512>}, {pipeline_mode = #tpu.pipeline_mode<synchronous>, transform_indices = @transform_15, window_bounds = array<i64: 2, 1, 512>}, {pipeline_mode = #tpu.pipeline_mode<synchronous>, transform_indices = @transform_16, window_bounds = array<i64: 2, 1, 512>}, {pipeline_mode = #tpu.pipeline_mode<synchronous>, transform_indices = @transform_17, window_bounds = array<i64: 2, 1, 512>}, {pipeline_mode = #tpu.pipeline_mode<synchronous>, transform_indices = @transform_18, window_bounds = array<i64: 2, 1, 512>}, {pipeline_mode = #tpu.pipeline_mode<synchronous>, transform_indices = @transform_19, window_bounds = array<i64: 2, 1, 512>}, {pipeline_mode = #tpu.pipeline_mode<synchronous>, transform_indices = @transform_20, window_bounds = array<i64: 2, 1, 512>}, {pipeline_mode = #tpu.pipeline_mode<synchronous>, transform_indices = @transform_21, window_bounds = array<i64: 1024, 512>}, {pipeline_mode = #tpu.pipeline_mode<synchronous>, transform_indices = @transform_22, window_bounds = array<i64: 1, 512>}, {pipeline_mode = #tpu.pipeline_mode<synchronous>, transform_indices = @transform_23, window_bounds = array<i64: 1, 512>}, {pipeline_mode = #tpu.pipeline_mode<synchronous>, transform_indices = @transform_24, window_bounds = array<i64: 1, 1>}, {transform_indices = @transform_25, window_bounds = array<i64: 1, 100, 1024>}, {transform_indices = @transform_26, window_bounds = array<i64: 1, 100, 8>}, {transform_indices = @transform_27, window_bounds = array<i64: 1, 1, 512>}]} {
    %get3A = arith.constant 0 : index
    %get3A_0 = arith.constant 0 : index
    %get3A_1 = arith.constant 0 : index
    %get3A_2 = vector.load %arg1[%get3A, %get3A_0, %get3A_1] : memref<1x100x512xi8, #tpu.memory_space<vmem>>, vector<1x100x512xi8>
    %get3A_3 = vector.shape_cast %get3A_2 : vector<1x100x512xi8> to vector<100x512xi8>
    %get3A_4 = arith.constant 0 : index
    %get3A_5 = arith.constant 0 : index
    %get3A_6 = vector.load %arg2[%get3A_4, %get3A_5] : memref<800x1xf32, #tpu.memory_space<vmem>>, vector<800x1xf32>
    %broadcast_in_dim3A = arith.constant 0.000000e+00 : f32
    %broadcast_in_dim3A_7 = vector.broadcast %broadcast_in_dim3A : f32 to vector<100x512xf32>
    %eq3A = arith.constant 0 : i8
    %eq3A_8 = vector.broadcast %eq3A : i8 to vector<100x512xi8>
    %eq3A_9 = arith.cmpi eq, %get3A_3, %eq3A_8 : vector<100x512xi8>
    %get3A_10 = arith.constant 0 : index
    %get3A_11 = arith.constant 0 : index
    %get3A_12 = arith.constant 0 : index
    %get3A_13 = vector.load %arg11[%get3A_10, %get3A_11, %get3A_12] : memref<5x100x512xf32, #tpu.memory_space<vmem>>, vector<1x100x512xf32>
    %get3A_14 = vector.shape_cast %get3A_13 : vector<1x100x512xf32> to vector<100x512xf32>
    %jit3A = arith.constant 0.000000e+00 : f32
    %broadcast_in_dim3A_15 = vector.broadcast %jit3A : f32 to vector<100x512xf32>
    %select_n3A = arith.select %eq3A_9, %get3A_14, %broadcast_in_dim3A_15 : vector<100x512xi1>, vector<100x512xf32>
    %add3A = arith.addf %broadcast_in_dim3A_7, %select_n3A : vector<100x512xf32>
    %eq3A_16 = arith.constant 1 : i8
    %eq3A_17 = vector.broadcast %eq3A_16 : i8 to vector<100x512xi8>
    %eq3A_18 = arith.cmpi eq, %get3A_3, %eq3A_17 : vector<100x512xi8>
    %get3A_19 = arith.constant 1 : index
    %get3A_20 = arith.constant 0 : index
    %get3A_21 = arith.constant 0 : index
    %get3A_22 = vector.load %arg11[%get3A_19, %get3A_20, %get3A_21] : memref<5x100x512xf32, #tpu.memory_space<vmem>>, vector<1x100x512xf32>
    %get3A_23 = vector.shape_cast %get3A_22 : vector<1x100x512xf32> to vector<100x512xf32>
    %jit3A_24 = arith.constant 0.000000e+00 : f32
    %broadcast_in_dim3A_25 = vector.broadcast %jit3A_24 : f32 to vector<100x512xf32>
    %select_n3A_26 = arith.select %eq3A_18, %get3A_23, %broadcast_in_dim3A_25 : vector<100x512xi1>, vector<100x512xf32>
    %add3A_27 = arith.addf %add3A, %select_n3A_26 : vector<100x512xf32>
    %eq3A_28 = arith.constant 2 : i8
    %eq3A_29 = vector.broadcast %eq3A_28 : i8 to vector<100x512xi8>
    %eq3A_30 = arith.cmpi eq, %get3A_3, %eq3A_29 : vector<100x512xi8>
    %get3A_31 = arith.constant 2 : index
    %get3A_32 = arith.constant 0 : index
    %get3A_33 = arith.constant 0 : index
    %get3A_34 = vector.load %arg11[%get3A_31, %get3A_32, %get3A_33] : memref<5x100x512xf32, #tpu.memory_space<vmem>>, vector<1x100x512xf32>
    %get3A_35 = vector.shape_cast %get3A_34 : vector<1x100x512xf32> to vector<100x512xf32>
    %jit3A_36 = arith.constant 0.000000e+00 : f32
    %broadcast_in_dim3A_37 = vector.broadcast %jit3A_36 : f32 to vector<100x512xf32>
    %select_n3A_38 = arith.select %eq3A_30, %get3A_35, %broadcast_in_dim3A_37 : vector<100x512xi1>, vector<100x512xf32>
    %add3A_39 = arith.addf %add3A_27, %select_n3A_38 : vector<100x512xf32>
    %eq3A_40 = arith.constant 3 : i8
    %eq3A_41 = vector.broadcast %eq3A_40 : i8 to vector<100x512xi8>
    %eq3A_42 = arith.cmpi eq, %get3A_3, %eq3A_41 : vector<100x512xi8>
    %get3A_43 = arith.constant 3 : index
    %get3A_44 = arith.constant 0 : index
    %get3A_45 = arith.constant 0 : index
    %get3A_46 = vector.load %arg11[%get3A_43, %get3A_44, %get3A_45] : memref<5x100x512xf32, #tpu.memory_space<vmem>>, vector<1x100x512xf32>
    %get3A_47 = vector.shape_cast %get3A_46 : vector<1x100x512xf32> to vector<100x512xf32>
    %jit3A_48 = arith.constant 0.000000e+00 : f32
    %broadcast_in_dim3A_49 = vector.broadcast %jit3A_48 : f32 to vector<100x512xf32>
    %select_n3A_50 = arith.select %eq3A_42, %get3A_47, %broadcast_in_dim3A_49 : vector<100x512xi1>, vector<100x512xf32>
    %add3A_51 = arith.addf %add3A_39, %select_n3A_50 : vector<100x512xf32>
    %eq3A_52 = arith.constant 4 : i8
    %eq3A_53 = vector.broadcast %eq3A_52 : i8 to vector<100x512xi8>
    %eq3A_54 = arith.cmpi eq, %get3A_3, %eq3A_53 : vector<100x512xi8>
    %get3A_55 = arith.constant 4 : index
    %get3A_56 = arith.constant 0 : index
    %get3A_57 = arith.constant 0 : index
    %get3A_58 = vector.load %arg11[%get3A_55, %get3A_56, %get3A_57] : memref<5x100x512xf32, #tpu.memory_space<vmem>>, vector<1x100x512xf32>
    %get3A_59 = vector.shape_cast %get3A_58 : vector<1x100x512xf32> to vector<100x512xf32>
    %jit3A_60 = arith.constant 0.000000e+00 : f32
    %broadcast_in_dim3A_61 = vector.broadcast %jit3A_60 : f32 to vector<100x512xf32>
    %select_n3A_62 = arith.select %eq3A_54, %get3A_59, %broadcast_in_dim3A_61 : vector<100x512xi1>, vector<100x512xf32>
    %add3A_63 = arith.addf %add3A_51, %select_n3A_62 : vector<100x512xf32>
    %get3A_64 = arith.constant 0 : index
    %get3A_65 = arith.constant 0 : index
    %get3A_66 = vector.load %arg10[%get3A_64, %get3A_65] : memref<100x512xf32, #tpu.memory_space<vmem>>, vector<100x512xf32>
    %add3A_67 = arith.addf %get3A_66, %add3A_63 : vector<100x512xf32>
    %get3A_68 = arith.constant 0 : index
    %get3A_69 = arith.constant 0 : index
    %get3A_70 = vector.load %arg12[%get3A_68, %get3A_69] : memref<100x1xf32, #tpu.memory_space<vmem>>, vector<100x1xf32>
    %mul3A = vector.broadcast %get3A_70 : vector<100x1xf32> to vector<100x512xf32>
    %mul3A_71 = arith.mulf %add3A_67, %mul3A : vector<100x512xf32>
    %get3A_72 = arith.constant 0 : index
    %get3A_73 = arith.constant 0 : index
    %get3A_74 = vector.load %arg3[%get3A_72, %get3A_73] : memref<800x100xf32, #tpu.memory_space<vmem>>, vector<800x100xf32>
    %get3A_75 = arith.constant 0 : index
    %get3A_76 = arith.constant 0 : index
    %get3A_77 = vector.load %arg4[%get3A_75, %get3A_76] : memref<800x100xf32, #tpu.memory_space<vmem>>, vector<800x100xf32>
    %get3A_78 = arith.constant 0 : index
    %get3A_79 = arith.constant 0 : index
    %get3A_80 = vector.load %arg5[%get3A_78, %get3A_79] : memref<100x800xf32, #tpu.memory_space<vmem>>, vector<100x800xf32>
    %get3A_81 = arith.constant 0 : index
    %get3A_82 = arith.constant 0 : index
    %get3A_83 = vector.load %arg6[%get3A_81, %get3A_82] : memref<512x32xf32, #tpu.memory_space<vmem>>, vector<512x32xf32>
    %get3A_84 = arith.constant 0 : index
    %get3A_85 = arith.constant 0 : index
    %get3A_86 = vector.load %arg7[%get3A_84, %get3A_85] : memref<32x512xf32, #tpu.memory_space<vmem>>, vector<32x512xf32>
    %get3A_87 = arith.constant 0 : index
    %get3A_88 = arith.constant 0 : index
    %get3A_89 = vector.load %arg8[%get3A_87, %get3A_88] : memref<512x8xf32, #tpu.memory_space<vmem>>, vector<512x8xf32>
    %get3A_90 = arith.constant 0 : index
    %get3A_91 = arith.constant 0 : index
    %get3A_92 = vector.load %arg9[%get3A_90, %get3A_91] : memref<8x512xf32, #tpu.memory_space<vmem>>, vector<8x512xf32>
    %get3A_93 = arith.constant 0 : index
    %get3A_94 = arith.constant 0 : index
    %get3A_95 = arith.constant 0 : index
    %get3A_96 = vector.load %arg13[%get3A_93, %get3A_94, %get3A_95] : memref<2x512x512xf32, #tpu.memory_space<vmem>>, vector<1x512x512xf32>
    %get3A_97 = vector.shape_cast %get3A_96 : vector<1x512x512xf32> to vector<512x512xf32>
    %dot_general3A = arith.constant dense<0.000000e+00> : vector<100x512xf32>
    %dot_general3A_98 = tpu.matmul %mul3A_71, %get3A_97, %dot_general3A {dimension_numbers = #tpu.dot_dimension_numbers<[1], [0], [0], [1], [0, 0, 1, 1], [], []>, transpose_lhs_hint = false} : vector<100x512xf32>, vector<512x512xf32>, vector<100x512xf32> -> vector<100x512xf32>
    %get3A_99 = arith.constant 0 : index
    %get3A_100 = arith.constant 0 : index
    %get3A_101 = arith.constant 0 : index
    %get3A_102 = vector.load %arg14[%get3A_99, %get3A_100, %get3A_101] : memref<2x1x512xf32, #tpu.memory_space<vmem>>, vector<1x1x512xf32>
    %get3A_103 = vector.shape_cast %get3A_102 : vector<1x1x512xf32> to vector<1x512xf32>
    %add3A_104 = vector.broadcast %get3A_103 : vector<1x512xf32> to vector<100x512xf32>
    %add3A_105 = arith.addf %dot_general3A_98, %add3A_104 : vector<100x512xf32>
    %get3A_106 = arith.constant 0 : index
    %get3A_107 = arith.constant 0 : index
    %get3A_108 = arith.constant 0 : index
    %get3A_109 = vector.load %arg15[%get3A_106, %get3A_107, %get3A_108] : memref<2x512x512xf32, #tpu.memory_space<vmem>>, vector<1x512x512xf32>
    %get3A_110 = vector.shape_cast %get3A_109 : vector<1x512x512xf32> to vector<512x512xf32>
    %dot_general3A_111 = arith.constant dense<0.000000e+00> : vector<100x512xf32>
    %dot_general3A_112 = tpu.matmul %mul3A_71, %get3A_110, %dot_general3A_111 {dimension_numbers = #tpu.dot_dimension_numbers<[1], [0], [0], [1], [0, 0, 1, 1], [], []>, transpose_lhs_hint = false} : vector<100x512xf32>, vector<512x512xf32>, vector<100x512xf32> -> vector<100x512xf32>
    %get3A_113 = arith.constant 0 : index
    %get3A_114 = arith.constant 0 : index
    %get3A_115 = arith.constant 0 : index
    %get3A_116 = vector.load %arg16[%get3A_113, %get3A_114, %get3A_115] : memref<2x1x512xf32, #tpu.memory_space<vmem>>, vector<1x1x512xf32>
    %get3A_117 = vector.shape_cast %get3A_116 : vector<1x1x512xf32> to vector<1x512xf32>
    %add3A_118 = vector.broadcast %get3A_117 : vector<1x512xf32> to vector<100x512xf32>
    %add3A_119 = arith.addf %dot_general3A_112, %add3A_118 : vector<100x512xf32>
    %dot_general3A_120 = arith.constant dense<0.000000e+00> : vector<800x512xf32>
    %dot_general3A_121 = tpu.matmul %get3A_74, %add3A_105, %dot_general3A_120 {dimension_numbers = #tpu.dot_dimension_numbers<[1], [0], [0], [1], [0, 0, 1, 1], [], []>, transpose_lhs_hint = false} : vector<800x100xf32>, vector<100x512xf32>, vector<800x512xf32> -> vector<800x512xf32>
    %dot_general3A_122 = arith.constant dense<0.000000e+00> : vector<800x512xf32>
    %dot_general3A_123 = tpu.matmul %get3A_77, %add3A_119, %dot_general3A_122 {dimension_numbers = #tpu.dot_dimension_numbers<[1], [0], [0], [1], [0, 0, 1, 1], [], []>, transpose_lhs_hint = false} : vector<800x100xf32>, vector<100x512xf32>, vector<800x512xf32> -> vector<800x512xf32>
    %add3A_124 = arith.addf %dot_general3A_121, %dot_general3A_123 : vector<800x512xf32>
    %get3A_125 = arith.constant 0 : index
    %get3A_126 = arith.constant 0 : index
    %get3A_127 = arith.constant 0 : index
    %get3A_128 = vector.load %arg18[%get3A_125, %get3A_126, %get3A_127] : memref<2x1x512xf32, #tpu.memory_space<vmem>>, vector<1x1x512xf32>
    %get3A_129 = vector.shape_cast %get3A_128 : vector<1x1x512xf32> to vector<1x512xf32>
    %mul3A_130 = vector.broadcast %get3A_6 : vector<800x1xf32> to vector<800x512xf32>
    %mul3A_131 = vector.broadcast %get3A_129 : vector<1x512xf32> to vector<800x512xf32>
    %mul3A_132 = arith.mulf %mul3A_130, %mul3A_131 : vector<800x512xf32>
    %add3A_133 = arith.addf %add3A_124, %mul3A_132 : vector<800x512xf32>
    %ge3A = arith.constant 0.000000e+00 : f32
    %ge3A_134 = vector.broadcast %ge3A : f32 to vector<800x512xf32>
    %ge3A_135 = arith.cmpf oge, %add3A_133, %ge3A_134 : vector<800x512xf32>
    %mul3A_136 = arith.constant 2.000000e-01 : f32
    %mul3A_137 = vector.broadcast %mul3A_136 : f32 to vector<800x512xf32>
    %mul3A_138 = arith.mulf %mul3A_137, %add3A_133 : vector<800x512xf32>
    %select_n3A_139 = arith.select %ge3A_135, %add3A_133, %mul3A_138 : vector<800x512xi1>, vector<800x512xf32>
    %get3A_140 = arith.constant 0 : index
    %get3A_141 = arith.constant 0 : index
    %get3A_142 = arith.constant 0 : index
    %get3A_143 = vector.load %arg17[%get3A_140, %get3A_141, %get3A_142] : memref<2x1x512xf32, #tpu.memory_space<vmem>>, vector<1x1x512xf32>
    %get3A_144 = vector.shape_cast %get3A_143 : vector<1x1x512xf32> to vector<1x512xf32>
    %mul3A_145 = vector.broadcast %get3A_144 : vector<1x512xf32> to vector<800x512xf32>
    %mul3A_146 = arith.mulf %select_n3A_139, %mul3A_145 : vector<800x512xf32>
    %dot_general3A_147 = arith.constant dense<0.000000e+00> : vector<800x32xf32>
    %dot_general3A_148 = tpu.matmul %mul3A_146, %get3A_83, %dot_general3A_147 {dimension_numbers = #tpu.dot_dimension_numbers<[1], [0], [0], [1], [0, 0, 1, 1], [], []>, transpose_lhs_hint = false} : vector<800x512xf32>, vector<512x32xf32>, vector<800x32xf32> -> vector<800x32xf32>
    %reduce_max3A = arith.constant dense<0xFF800000> : vector<32xf32>
    %reduce_max3A_149 = vector.multi_reduction <maximumf>, %dot_general3A_148, %reduce_max3A [0] : vector<800x32xf32> to vector<32xf32>
    %broadcast_in_dim3A_150 = vector.shape_cast %reduce_max3A_149 : vector<32xf32> to vector<1x32xf32>
    %sub3A = vector.broadcast %broadcast_in_dim3A_150 : vector<1x32xf32> to vector<800x32xf32>
    %sub3A_151 = arith.subf %dot_general3A_148, %sub3A : vector<800x32xf32>
    %exp3A = math.exp %sub3A_151 : vector<800x32xf32>
    %dot_general3A_152 = arith.constant dense<0.000000e+00> : vector<100x32xf32>
    %dot_general3A_153 = tpu.matmul %get3A_80, %exp3A, %dot_general3A_152 {dimension_numbers = #tpu.dot_dimension_numbers<[1], [0], [0], [1], [0, 0, 1, 1], [], []>, transpose_lhs_hint = false} : vector<100x800xf32>, vector<800x32xf32>, vector<100x32xf32> -> vector<100x32xf32>
    %dot_general3A_154 = arith.constant dense<0.000000e+00> : vector<800x32xf32>
    %dot_general3A_155 = tpu.matmul %get3A_77, %dot_general3A_153, %dot_general3A_154 {dimension_numbers = #tpu.dot_dimension_numbers<[1], [0], [0], [1], [0, 0, 1, 1], [], []>, transpose_lhs_hint = false} : vector<800x100xf32>, vector<100x32xf32>, vector<800x32xf32> -> vector<800x32xf32>
    %add3A_156 = arith.constant 1.000000e-16 : f32
    %add3A_157 = vector.broadcast %add3A_156 : f32 to vector<800x32xf32>
    %add3A_158 = arith.addf %dot_general3A_155, %add3A_157 : vector<800x32xf32>
    %div3A = arith.divf %exp3A, %add3A_158 : vector<800x32xf32>
    %dot_general3A_159 = arith.constant dense<0.000000e+00> : vector<800x512xf32>
    %dot_general3A_160 = tpu.matmul %div3A, %get3A_86, %dot_general3A_159 {dimension_numbers = #tpu.dot_dimension_numbers<[1], [0], [0], [1], [0, 0, 1, 1], [], []>, transpose_lhs_hint = false} : vector<800x32xf32>, vector<32x512xf32>, vector<800x512xf32> -> vector<800x512xf32>
    %mul3A_161 = arith.mulf %dot_general3A_121, %dot_general3A_160 : vector<800x512xf32>
    %dot_general3A_162 = arith.constant dense<0.000000e+00> : vector<100x512xf32>
    %dot_general3A_163 = tpu.matmul %get3A_80, %mul3A_161, %dot_general3A_162 {dimension_numbers = #tpu.dot_dimension_numbers<[1], [0], [0], [1], [0, 0, 1, 1], [], []>, transpose_lhs_hint = false} : vector<100x800xf32>, vector<800x512xf32>, vector<100x512xf32> -> vector<100x512xf32>
    %get3A_164 = arith.constant 0 : index
    %get3A_165 = arith.constant 0 : index
    %get3A_166 = arith.constant 0 : index
    %get3A_167 = vector.load %arg19[%get3A_164, %get3A_165, %get3A_166] : memref<2x1x512xf32, #tpu.memory_space<vmem>>, vector<1x1x512xf32>
    %get3A_168 = vector.shape_cast %get3A_167 : vector<1x1x512xf32> to vector<1x512xf32>
    %add3A_169 = vector.broadcast %get3A_168 : vector<1x512xf32> to vector<100x512xf32>
    %add3A_170 = arith.addf %dot_general3A_163, %add3A_169 : vector<100x512xf32>
    %dot_general3A_171 = arith.constant dense<0.000000e+00> : vector<100x8xf32>
    %dot_general3A_172 = tpu.matmul %add3A_170, %get3A_89, %dot_general3A_171 {dimension_numbers = #tpu.dot_dimension_numbers<[1], [0], [0], [1], [0, 0, 1, 1], [], []>, transpose_lhs_hint = false} : vector<100x512xf32>, vector<512x8xf32>, vector<100x8xf32> -> vector<100x8xf32>
    %mul3A_173 = arith.constant 1.562500e-02 : f32
    %mul3A_174 = vector.broadcast %mul3A_173 : f32 to vector<100x8xf32>
    %mul3A_175 = arith.mulf %dot_general3A_172, %mul3A_174 : vector<100x8xf32>
    %dot_general3A_176 = arith.constant dense<0.000000e+00> : vector<100x512xf32>
    %dot_general3A_177 = tpu.matmul %mul3A_175, %get3A_92, %dot_general3A_176 {dimension_numbers = #tpu.dot_dimension_numbers<[1], [0], [0], [1], [0, 0, 1, 1], [], []>, transpose_lhs_hint = false} : vector<100x8xf32>, vector<8x512xf32>, vector<100x512xf32> -> vector<100x512xf32>
    %sub3A_178 = arith.subf %add3A_170, %dot_general3A_177 : vector<100x512xf32>
    %mul3A_179 = arith.mulf %sub3A_178, %sub3A_178 : vector<100x512xf32>
    %dot_general3A_180 = arith.constant dense<0.000000e+00> : vector<100x8xf32>
    %dot_general3A_181 = tpu.matmul %mul3A_179, %get3A_89, %dot_general3A_180 {dimension_numbers = #tpu.dot_dimension_numbers<[1], [0], [0], [1], [0, 0, 1, 1], [], []>, transpose_lhs_hint = false} : vector<100x512xf32>, vector<512x8xf32>, vector<100x8xf32> -> vector<100x8xf32>
    %mul3A_182 = arith.constant 1.562500e-02 : f32
    %mul3A_183 = vector.broadcast %mul3A_182 : f32 to vector<100x8xf32>
    %mul3A_184 = arith.mulf %dot_general3A_181, %mul3A_183 : vector<100x8xf32>
    %dot_general3A_185 = arith.constant dense<0.000000e+00> : vector<100x512xf32>
    %dot_general3A_186 = tpu.matmul %mul3A_184, %get3A_92, %dot_general3A_185 {dimension_numbers = #tpu.dot_dimension_numbers<[1], [0], [0], [1], [0, 0, 1, 1], [], []>, transpose_lhs_hint = false} : vector<100x8xf32>, vector<8x512xf32>, vector<100x512xf32> -> vector<100x512xf32>
    %add3A_187 = arith.constant 9.99999974E-6 : f32
    %add3A_188 = vector.broadcast %add3A_187 : f32 to vector<100x512xf32>
    %add3A_189 = arith.addf %dot_general3A_186, %add3A_188 : vector<100x512xf32>
    %rsqrt3A = math.rsqrt %add3A_189 : vector<100x512xf32>
    %mul3A_190 = arith.mulf %sub3A_178, %rsqrt3A : vector<100x512xf32>
    %get3A_191 = arith.constant 0 : index
    %get3A_192 = arith.constant 0 : index
    %get3A_193 = arith.constant 0 : index
    %get3A_194 = vector.load %arg20[%get3A_191, %get3A_192, %get3A_193] : memref<2x1x512xf32, #tpu.memory_space<vmem>>, vector<1x1x512xf32>
    %get3A_195 = vector.shape_cast %get3A_194 : vector<1x1x512xf32> to vector<1x512xf32>
    %mul3A_196 = vector.broadcast %get3A_195 : vector<1x512xf32> to vector<100x512xf32>
    %mul3A_197 = arith.mulf %mul3A_190, %mul3A_196 : vector<100x512xf32>
    %get3A_198 = arith.constant 0 : index
    %get3A_199 = arith.constant 0 : index
    %get3A_200 = arith.constant 0 : index
    %get3A_201 = vector.load %arg21[%get3A_198, %get3A_199, %get3A_200] : memref<2x1x512xf32, #tpu.memory_space<vmem>>, vector<1x1x512xf32>
    %get3A_202 = vector.shape_cast %get3A_201 : vector<1x1x512xf32> to vector<1x512xf32>
    %add3A_203 = vector.broadcast %get3A_202 : vector<1x512xf32> to vector<100x512xf32>
    %add3A_204 = arith.addf %mul3A_197, %add3A_203 : vector<100x512xf32>
    %gt3A = arith.constant 0.000000e+00 : f32
    %gt3A_205 = vector.broadcast %gt3A : f32 to vector<100x512xf32>
    %gt3A_206 = arith.cmpf ogt, %add3A_204, %gt3A_205 : vector<100x512xf32>
    %min3A = arith.constant 0.000000e+00 : f32
    %min3A_207 = vector.broadcast %min3A : f32 to vector<100x512xf32>
    %min3A_208 = arith.minimumf %add3A_204, %min3A_207 : vector<100x512xf32>
    %exp3A_209 = math.exp %min3A_208 : vector<100x512xf32>
    %sub3A_210 = arith.constant 1.000000e+00 : f32
    %sub3A_211 = vector.broadcast %sub3A_210 : f32 to vector<100x512xf32>
    %sub3A_212 = arith.subf %exp3A_209, %sub3A_211 : vector<100x512xf32>
    %select_n3A_213 = arith.select %gt3A_206, %add3A_204, %sub3A_212 : vector<100x512xi1>, vector<100x512xf32>
    %add3A_214 = arith.addf %mul3A_71, %select_n3A_213 : vector<100x512xf32>
    %get3A_215 = arith.constant 1 : index
    %get3A_216 = arith.constant 0 : index
    %get3A_217 = arith.constant 0 : index
    %get3A_218 = vector.load %arg13[%get3A_215, %get3A_216, %get3A_217] : memref<2x512x512xf32, #tpu.memory_space<vmem>>, vector<1x512x512xf32>
    %get3A_219 = vector.shape_cast %get3A_218 : vector<1x512x512xf32> to vector<512x512xf32>
    %dot_general3A_220 = arith.constant dense<0.000000e+00> : vector<100x512xf32>
    %dot_general3A_221 = tpu.matmul %add3A_214, %get3A_219, %dot_general3A_220 {dimension_numbers = #tpu.dot_dimension_numbers<[1], [0], [0], [1], [0, 0, 1, 1], [], []>, transpose_lhs_hint = false} : vector<100x512xf32>, vector<512x512xf32>, vector<100x512xf32> -> vector<100x512xf32>
    %get3A_222 = arith.constant 1 : index
    %get3A_223 = arith.constant 0 : index
    %get3A_224 = arith.constant 0 : index
    %get3A_225 = vector.load %arg14[%get3A_222, %get3A_223, %get3A_224] : memref<2x1x512xf32, #tpu.memory_space<vmem>>, vector<1x1x512xf32>
    %get3A_226 = vector.shape_cast %get3A_225 : vector<1x1x512xf32> to vector<1x512xf32>
    %add3A_227 = vector.broadcast %get3A_226 : vector<1x512xf32> to vector<100x512xf32>
    %add3A_228 = arith.addf %dot_general3A_221, %add3A_227 : vector<100x512xf32>
    %get3A_229 = arith.constant 1 : index
    %get3A_230 = arith.constant 0 : index
    %get3A_231 = arith.constant 0 : index
    %get3A_232 = vector.load %arg15[%get3A_229, %get3A_230, %get3A_231] : memref<2x512x512xf32, #tpu.memory_space<vmem>>, vector<1x512x512xf32>
    %get3A_233 = vector.shape_cast %get3A_232 : vector<1x512x512xf32> to vector<512x512xf32>
    %dot_general3A_234 = arith.constant dense<0.000000e+00> : vector<100x512xf32>
    %dot_general3A_235 = tpu.matmul %add3A_214, %get3A_233, %dot_general3A_234 {dimension_numbers = #tpu.dot_dimension_numbers<[1], [0], [0], [1], [0, 0, 1, 1], [], []>, transpose_lhs_hint = false} : vector<100x512xf32>, vector<512x512xf32>, vector<100x512xf32> -> vector<100x512xf32>
    %get3A_236 = arith.constant 1 : index
    %get3A_237 = arith.constant 0 : index
    %get3A_238 = arith.constant 0 : index
    %get3A_239 = vector.load %arg16[%get3A_236, %get3A_237, %get3A_238] : memref<2x1x512xf32, #tpu.memory_space<vmem>>, vector<1x1x512xf32>
    %get3A_240 = vector.shape_cast %get3A_239 : vector<1x1x512xf32> to vector<1x512xf32>
    %add3A_241 = vector.broadcast %get3A_240 : vector<1x512xf32> to vector<100x512xf32>
    %add3A_242 = arith.addf %dot_general3A_235, %add3A_241 : vector<100x512xf32>
    %dot_general3A_243 = arith.constant dense<0.000000e+00> : vector<800x512xf32>
    %dot_general3A_244 = tpu.matmul %get3A_74, %add3A_228, %dot_general3A_243 {dimension_numbers = #tpu.dot_dimension_numbers<[1], [0], [0], [1], [0, 0, 1, 1], [], []>, transpose_lhs_hint = false} : vector<800x100xf32>, vector<100x512xf32>, vector<800x512xf32> -> vector<800x512xf32>
    %dot_general3A_245 = arith.constant dense<0.000000e+00> : vector<800x512xf32>
    %dot_general3A_246 = tpu.matmul %get3A_77, %add3A_242, %dot_general3A_245 {dimension_numbers = #tpu.dot_dimension_numbers<[1], [0], [0], [1], [0, 0, 1, 1], [], []>, transpose_lhs_hint = false} : vector<800x100xf32>, vector<100x512xf32>, vector<800x512xf32> -> vector<800x512xf32>
    %add3A_247 = arith.addf %dot_general3A_244, %dot_general3A_246 : vector<800x512xf32>
    %get3A_248 = arith.constant 1 : index
    %get3A_249 = arith.constant 0 : index
    %get3A_250 = arith.constant 0 : index
    %get3A_251 = vector.load %arg18[%get3A_248, %get3A_249, %get3A_250] : memref<2x1x512xf32, #tpu.memory_space<vmem>>, vector<1x1x512xf32>
    %get3A_252 = vector.shape_cast %get3A_251 : vector<1x1x512xf32> to vector<1x512xf32>
    %mul3A_253 = vector.broadcast %get3A_6 : vector<800x1xf32> to vector<800x512xf32>
    %mul3A_254 = vector.broadcast %get3A_252 : vector<1x512xf32> to vector<800x512xf32>
    %mul3A_255 = arith.mulf %mul3A_253, %mul3A_254 : vector<800x512xf32>
    %add3A_256 = arith.addf %add3A_247, %mul3A_255 : vector<800x512xf32>
    %ge3A_257 = arith.constant 0.000000e+00 : f32
    %ge3A_258 = vector.broadcast %ge3A_257 : f32 to vector<800x512xf32>
    %ge3A_259 = arith.cmpf oge, %add3A_256, %ge3A_258 : vector<800x512xf32>
    %mul3A_260 = arith.constant 2.000000e-01 : f32
    %mul3A_261 = vector.broadcast %mul3A_260 : f32 to vector<800x512xf32>
    %mul3A_262 = arith.mulf %mul3A_261, %add3A_256 : vector<800x512xf32>
    %select_n3A_263 = arith.select %ge3A_259, %add3A_256, %mul3A_262 : vector<800x512xi1>, vector<800x512xf32>
    %get3A_264 = arith.constant 1 : index
    %get3A_265 = arith.constant 0 : index
    %get3A_266 = arith.constant 0 : index
    %get3A_267 = vector.load %arg17[%get3A_264, %get3A_265, %get3A_266] : memref<2x1x512xf32, #tpu.memory_space<vmem>>, vector<1x1x512xf32>
    %get3A_268 = vector.shape_cast %get3A_267 : vector<1x1x512xf32> to vector<1x512xf32>
    %mul3A_269 = vector.broadcast %get3A_268 : vector<1x512xf32> to vector<800x512xf32>
    %mul3A_270 = arith.mulf %select_n3A_263, %mul3A_269 : vector<800x512xf32>
    %dot_general3A_271 = arith.constant dense<0.000000e+00> : vector<800x32xf32>
    %dot_general3A_272 = tpu.matmul %mul3A_270, %get3A_83, %dot_general3A_271 {dimension_numbers = #tpu.dot_dimension_numbers<[1], [0], [0], [1], [0, 0, 1, 1], [], []>, transpose_lhs_hint = false} : vector<800x512xf32>, vector<512x32xf32>, vector<800x32xf32> -> vector<800x32xf32>
    %reduce_max3A_273 = arith.constant dense<0xFF800000> : vector<32xf32>
    %reduce_max3A_274 = vector.multi_reduction <maximumf>, %dot_general3A_272, %reduce_max3A_273 [0] : vector<800x32xf32> to vector<32xf32>
    %broadcast_in_dim3A_275 = vector.shape_cast %reduce_max3A_274 : vector<32xf32> to vector<1x32xf32>
    %sub3A_276 = vector.broadcast %broadcast_in_dim3A_275 : vector<1x32xf32> to vector<800x32xf32>
    %sub3A_277 = arith.subf %dot_general3A_272, %sub3A_276 : vector<800x32xf32>
    %exp3A_278 = math.exp %sub3A_277 : vector<800x32xf32>
    %dot_general3A_279 = arith.constant dense<0.000000e+00> : vector<100x32xf32>
    %dot_general3A_280 = tpu.matmul %get3A_80, %exp3A_278, %dot_general3A_279 {dimension_numbers = #tpu.dot_dimension_numbers<[1], [0], [0], [1], [0, 0, 1, 1], [], []>, transpose_lhs_hint = false} : vector<100x800xf32>, vector<800x32xf32>, vector<100x32xf32> -> vector<100x32xf32>
    %dot_general3A_281 = arith.constant dense<0.000000e+00> : vector<800x32xf32>
    %dot_general3A_282 = tpu.matmul %get3A_77, %dot_general3A_280, %dot_general3A_281 {dimension_numbers = #tpu.dot_dimension_numbers<[1], [0], [0], [1], [0, 0, 1, 1], [], []>, transpose_lhs_hint = false} : vector<800x100xf32>, vector<100x32xf32>, vector<800x32xf32> -> vector<800x32xf32>
    %add3A_283 = arith.constant 1.000000e-16 : f32
    %add3A_284 = vector.broadcast %add3A_283 : f32 to vector<800x32xf32>
    %add3A_285 = arith.addf %dot_general3A_282, %add3A_284 : vector<800x32xf32>
    %div3A_286 = arith.divf %exp3A_278, %add3A_285 : vector<800x32xf32>
    %dot_general3A_287 = arith.constant dense<0.000000e+00> : vector<800x512xf32>
    %dot_general3A_288 = tpu.matmul %div3A_286, %get3A_86, %dot_general3A_287 {dimension_numbers = #tpu.dot_dimension_numbers<[1], [0], [0], [1], [0, 0, 1, 1], [], []>, transpose_lhs_hint = false} : vector<800x32xf32>, vector<32x512xf32>, vector<800x512xf32> -> vector<800x512xf32>
    %mul3A_289 = arith.mulf %dot_general3A_244, %dot_general3A_288 : vector<800x512xf32>
    %dot_general3A_290 = arith.constant dense<0.000000e+00> : vector<100x512xf32>
    %dot_general3A_291 = tpu.matmul %get3A_80, %mul3A_289, %dot_general3A_290 {dimension_numbers = #tpu.dot_dimension_numbers<[1], [0], [0], [1], [0, 0, 1, 1], [], []>, transpose_lhs_hint = false} : vector<100x800xf32>, vector<800x512xf32>, vector<100x512xf32> -> vector<100x512xf32>
    %get3A_292 = arith.constant 1 : index
    %get3A_293 = arith.constant 0 : index
    %get3A_294 = arith.constant 0 : index
    %get3A_295 = vector.load %arg19[%get3A_292, %get3A_293, %get3A_294] : memref<2x1x512xf32, #tpu.memory_space<vmem>>, vector<1x1x512xf32>
    %get3A_296 = vector.shape_cast %get3A_295 : vector<1x1x512xf32> to vector<1x512xf32>
    %add3A_297 = vector.broadcast %get3A_296 : vector<1x512xf32> to vector<100x512xf32>
    %add3A_298 = arith.addf %dot_general3A_291, %add3A_297 : vector<100x512xf32>
    %dot_general3A_299 = arith.constant dense<0.000000e+00> : vector<100x8xf32>
    %dot_general3A_300 = tpu.matmul %add3A_298, %get3A_89, %dot_general3A_299 {dimension_numbers = #tpu.dot_dimension_numbers<[1], [0], [0], [1], [0, 0, 1, 1], [], []>, transpose_lhs_hint = false} : vector<100x512xf32>, vector<512x8xf32>, vector<100x8xf32> -> vector<100x8xf32>
    %mul3A_301 = arith.constant 1.562500e-02 : f32
    %mul3A_302 = vector.broadcast %mul3A_301 : f32 to vector<100x8xf32>
    %mul3A_303 = arith.mulf %dot_general3A_300, %mul3A_302 : vector<100x8xf32>
    %dot_general3A_304 = arith.constant dense<0.000000e+00> : vector<100x512xf32>
    %dot_general3A_305 = tpu.matmul %mul3A_303, %get3A_92, %dot_general3A_304 {dimension_numbers = #tpu.dot_dimension_numbers<[1], [0], [0], [1], [0, 0, 1, 1], [], []>, transpose_lhs_hint = false} : vector<100x8xf32>, vector<8x512xf32>, vector<100x512xf32> -> vector<100x512xf32>
    %sub3A_306 = arith.subf %add3A_298, %dot_general3A_305 : vector<100x512xf32>
    %mul3A_307 = arith.mulf %sub3A_306, %sub3A_306 : vector<100x512xf32>
    %dot_general3A_308 = arith.constant dense<0.000000e+00> : vector<100x8xf32>
    %dot_general3A_309 = tpu.matmul %mul3A_307, %get3A_89, %dot_general3A_308 {dimension_numbers = #tpu.dot_dimension_numbers<[1], [0], [0], [1], [0, 0, 1, 1], [], []>, transpose_lhs_hint = false} : vector<100x512xf32>, vector<512x8xf32>, vector<100x8xf32> -> vector<100x8xf32>
    %mul3A_310 = arith.constant 1.562500e-02 : f32
    %mul3A_311 = vector.broadcast %mul3A_310 : f32 to vector<100x8xf32>
    %mul3A_312 = arith.mulf %dot_general3A_309, %mul3A_311 : vector<100x8xf32>
    %dot_general3A_313 = arith.constant dense<0.000000e+00> : vector<100x512xf32>
    %dot_general3A_314 = tpu.matmul %mul3A_312, %get3A_92, %dot_general3A_313 {dimension_numbers = #tpu.dot_dimension_numbers<[1], [0], [0], [1], [0, 0, 1, 1], [], []>, transpose_lhs_hint = false} : vector<100x8xf32>, vector<8x512xf32>, vector<100x512xf32> -> vector<100x512xf32>
    %add3A_315 = arith.constant 9.99999974E-6 : f32
    %add3A_316 = vector.broadcast %add3A_315 : f32 to vector<100x512xf32>
    %add3A_317 = arith.addf %dot_general3A_314, %add3A_316 : vector<100x512xf32>
    %rsqrt3A_318 = math.rsqrt %add3A_317 : vector<100x512xf32>
    %mul3A_319 = arith.mulf %sub3A_306, %rsqrt3A_318 : vector<100x512xf32>
    %get3A_320 = arith.constant 1 : index
    %get3A_321 = arith.constant 0 : index
    %get3A_322 = arith.constant 0 : index
    %get3A_323 = vector.load %arg20[%get3A_320, %get3A_321, %get3A_322] : memref<2x1x512xf32, #tpu.memory_space<vmem>>, vector<1x1x512xf32>
    %get3A_324 = vector.shape_cast %get3A_323 : vector<1x1x512xf32> to vector<1x512xf32>
    %mul3A_325 = vector.broadcast %get3A_324 : vector<1x512xf32> to vector<100x512xf32>
    %mul3A_326 = arith.mulf %mul3A_319, %mul3A_325 : vector<100x512xf32>
    %get3A_327 = arith.constant 1 : index
    %get3A_328 = arith.constant 0 : index
    %get3A_329 = arith.constant 0 : index
    %get3A_330 = vector.load %arg21[%get3A_327, %get3A_328, %get3A_329] : memref<2x1x512xf32, #tpu.memory_space<vmem>>, vector<1x1x512xf32>
    %get3A_331 = vector.shape_cast %get3A_330 : vector<1x1x512xf32> to vector<1x512xf32>
    %add3A_332 = vector.broadcast %get3A_331 : vector<1x512xf32> to vector<100x512xf32>
    %add3A_333 = arith.addf %mul3A_326, %add3A_332 : vector<100x512xf32>
    %gt3A_334 = arith.constant 0.000000e+00 : f32
    %gt3A_335 = vector.broadcast %gt3A_334 : f32 to vector<100x512xf32>
    %gt3A_336 = arith.cmpf ogt, %add3A_333, %gt3A_335 : vector<100x512xf32>
    %min3A_337 = arith.constant 0.000000e+00 : f32
    %min3A_338 = vector.broadcast %min3A_337 : f32 to vector<100x512xf32>
    %min3A_339 = arith.minimumf %add3A_333, %min3A_338 : vector<100x512xf32>
    %exp3A_340 = math.exp %min3A_339 : vector<100x512xf32>
    %sub3A_341 = arith.constant 1.000000e+00 : f32
    %sub3A_342 = vector.broadcast %sub3A_341 : f32 to vector<100x512xf32>
    %sub3A_343 = arith.subf %exp3A_340, %sub3A_342 : vector<100x512xf32>
    %select_n3A_344 = arith.select %gt3A_336, %add3A_333, %sub3A_343 : vector<100x512xi1>, vector<100x512xf32>
    %add3A_345 = arith.addf %add3A_214, %select_n3A_344 : vector<100x512xf32>
    %concatenate3A = tpu.concatenate %mul3A_71, %add3A_345 in 1 : vector<100x512xf32>, vector<100x512xf32> -> vector<100x1024xf32>
    %get3A_346 = arith.constant 0 : index
    %get3A_347 = arith.constant 0 : index
    %get3A_348 = vector.load %arg22[%get3A_346, %get3A_347] : memref<1024x512xf32, #tpu.memory_space<vmem>>, vector<1024x512xf32>
    %dot_general3A_349 = arith.constant dense<0.000000e+00> : vector<100x512xf32>
    %dot_general3A_350 = tpu.matmul %concatenate3A, %get3A_348, %dot_general3A_349 {dimension_numbers = #tpu.dot_dimension_numbers<[1], [0], [0], [1], [0, 0, 1, 1], [], []>, transpose_lhs_hint = false} : vector<100x1024xf32>, vector<1024x512xf32>, vector<100x512xf32> -> vector<100x512xf32>
    %get3A_351 = arith.constant 0 : index
    %get3A_352 = arith.constant 0 : index
    %get3A_353 = vector.load %arg23[%get3A_351, %get3A_352] : memref<1x512xf32, #tpu.memory_space<vmem>>, vector<1x512xf32>
    %add3A_354 = vector.broadcast %get3A_353 : vector<1x512xf32> to vector<100x512xf32>
    %add3A_355 = arith.addf %dot_general3A_350, %add3A_354 : vector<100x512xf32>
    %max3A = arith.constant 0.000000e+00 : f32
    %max3A_356 = vector.broadcast %max3A : f32 to vector<100x512xf32>
    %max3A_357 = arith.maximumf %add3A_355, %max3A_356 : vector<100x512xf32>
    %get3A_358 = arith.constant 0 : index
    %get3A_359 = arith.constant 0 : index
    %get3A_360 = vector.load %arg24[%get3A_358, %get3A_359] : memref<1x512xf32, #tpu.memory_space<vmem>>, vector<1x512xf32>
    %mul3A_361 = vector.broadcast %get3A_360 : vector<1x512xf32> to vector<100x512xf32>
    %mul3A_362 = arith.mulf %max3A_357, %mul3A_361 : vector<100x512xf32>
    %dot_general3A_363 = arith.constant dense<0.000000e+00> : vector<100x8xf32>
    %dot_general3A_364 = tpu.matmul %mul3A_362, %get3A_89, %dot_general3A_363 {dimension_numbers = #tpu.dot_dimension_numbers<[1], [0], [0], [1], [0, 0, 1, 1], [], []>, transpose_lhs_hint = false} : vector<100x512xf32>, vector<512x8xf32>, vector<100x8xf32> -> vector<100x8xf32>
    %get3A_365 = arith.constant 0 : index
    %get3A_366 = arith.constant 0 : index
    %get3A_367 = vector.load %arg25[%get3A_365, %get3A_366] : memref<1x1xf32, #tpu.memory_space<vmem>>, vector<1x1xf32>
    %add3A_368 = vector.broadcast %get3A_367 : vector<1x1xf32> to vector<100x8xf32>
    %add3A_369 = arith.addf %dot_general3A_364, %add3A_368 : vector<100x8xf32>
    %neg3A = arith.constant 0.000000e+00 : f32
    %neg3A_370 = vector.broadcast %neg3A : f32 to vector<100x8xf32>
    %neg3A_371 = arith.subf %neg3A_370, %add3A_369 : vector<100x8xf32>
    %exp3A_372 = math.exp %neg3A_371 : vector<100x8xf32>
    %add3A_373 = arith.constant 1.000000e+00 : f32
    %add3A_374 = vector.broadcast %add3A_373 : f32 to vector<100x8xf32>
    %add3A_375 = arith.addf %add3A_374, %exp3A_372 : vector<100x8xf32>
    %div3A_376 = arith.constant 1.000000e+00 : f32
    %div3A_377 = vector.broadcast %div3A_376 : f32 to vector<100x8xf32>
    %div3A_378 = arith.divf %div3A_377, %add3A_375 : vector<100x8xf32>
    %dot_general3A_379 = arith.constant dense<0.000000e+00> : vector<100x512xf32>
    %dot_general3A_380 = tpu.matmul %div3A_378, %get3A_92, %dot_general3A_379 {dimension_numbers = #tpu.dot_dimension_numbers<[1], [0], [0], [1], [0, 0, 1, 1], [], []>, transpose_lhs_hint = false} : vector<100x8xf32>, vector<8x512xf32>, vector<100x512xf32> -> vector<100x512xf32>
    %mul3A_381 = arith.mulf %add3A_345, %dot_general3A_380 : vector<100x512xf32>
    %broadcast_in_dim3A_382 = arith.constant 1.000000e+00 : f32
    %broadcast_in_dim3A_383 = vector.broadcast %broadcast_in_dim3A_382 : f32 to vector<1x100xf32>
    %dot_general3A_384 = arith.constant dense<0.000000e+00> : vector<1x512xf32>
    %dot_general3A_385 = tpu.matmul %broadcast_in_dim3A_383, %mul3A_381, %dot_general3A_384 {dimension_numbers = #tpu.dot_dimension_numbers<[1], [0], [0], [1], [0, 0, 1, 1], [], []>, transpose_lhs_hint = false} : vector<1x100xf32>, vector<100x512xf32>, vector<1x512xf32> -> vector<1x512xf32>
    %dot_general3A_386 = arith.constant dense<0.000000e+00> : vector<1x512xf32>
    %dot_general3A_387 = tpu.matmul %broadcast_in_dim3A_383, %dot_general3A_380, %dot_general3A_386 {dimension_numbers = #tpu.dot_dimension_numbers<[1], [0], [0], [1], [0, 0, 1, 1], [], []>, transpose_lhs_hint = false} : vector<1x100xf32>, vector<100x512xf32>, vector<1x512xf32> -> vector<1x512xf32>
    %add3A_388 = arith.constant 9.99999993E-9 : f32
    %add3A_389 = vector.broadcast %add3A_388 : f32 to vector<1x512xf32>
    %add3A_390 = arith.addf %dot_general3A_387, %add3A_389 : vector<1x512xf32>
    %div3A_391 = arith.divf %dot_general3A_385, %add3A_390 : vector<1x512xf32>
    %swap3A = arith.constant 0 : index
    %swap3A_392 = arith.constant 0 : index
    %swap3A_393 = arith.constant 0 : index
    %swap3A_394 = vector.load %arg26[%swap3A, %swap3A_392, %swap3A_393] : memref<1x100x1024xf32, #tpu.memory_space<vmem>>, vector<1x100x1024xf32>
    %swap3A_395 = vector.shape_cast %swap3A_394 : vector<1x100x1024xf32> to vector<100x1024xf32>
    %swap3A_396 = vector.shape_cast %concatenate3A : vector<100x1024xf32> to vector<1x100x1024xf32>
    tpu.vector_store %arg26[%swap3A, %swap3A_392, %swap3A_393], %swap3A_396 {strides = array<i32>} : memref<1x100x1024xf32, #tpu.memory_space<vmem>>, vector<1x100x1024xf32>,
    %swap3A_397 = arith.constant 0 : index
    %swap3A_398 = arith.constant 0 : index
    %swap3A_399 = arith.constant 0 : index
    %swap3A_400 = vector.load %arg27[%swap3A_397, %swap3A_398, %swap3A_399] : memref<1x100x8xf32, #tpu.memory_space<vmem>>, vector<1x100x8xf32>
    %swap3A_401 = vector.shape_cast %swap3A_400 : vector<1x100x8xf32> to vector<100x8xf32>
    %swap3A_402 = vector.shape_cast %div3A_378 : vector<100x8xf32> to vector<1x100x8xf32>
    tpu.vector_store %arg27[%swap3A_397, %swap3A_398, %swap3A_399], %swap3A_402 {strides = array<i32>} : memref<1x100x8xf32, #tpu.memory_space<vmem>>, vector<1x100x8xf32>,
    %swap3A_403 = arith.constant 0 : index
    %swap3A_404 = arith.constant 0 : index
    %swap3A_405 = arith.constant 0 : index
    %swap3A_406 = vector.load %arg28[%swap3A_403, %swap3A_404, %swap3A_405] : memref<1x1x512xf32, #tpu.memory_space<vmem>>, vector<1x1x512xf32>
    %swap3A_407 = vector.shape_cast %swap3A_406 : vector<1x1x512xf32> to vector<1x512xf32>
    %swap3A_408 = vector.shape_cast %div3A_391 : vector<1x512xf32> to vector<1x1x512xf32>
    tpu.vector_store %arg28[%swap3A_403, %swap3A_404, %swap3A_405], %swap3A_408 {strides = array<i32>} : memref<1x1x512xf32, #tpu.memory_space<vmem>>, vector<1x1x512xf32>,
    return
  }
  func.func @transform_0(%arg0: i32) -> (i32, i32, i32) {
    %c0_i32 = arith.constant 0 : i32
    %c0_i32_0 = arith.constant 0 : i32
    %c0_i32_1 = arith.constant 0 : i32
    return %arg0, %c0_i32, %c0_i32_0 : i32, i32, i32
  }
  func.func @transform_1(%arg0: i32) -> (i32, i32) {
    %c0_i32 = arith.constant 0 : i32
    %c0_i32_0 = arith.constant 0 : i32
    %c0_i32_1 = arith.constant 0 : i32
    return %c0_i32, %c0_i32_0 : i32, i32
  }
  func.func @transform_2(%arg0: i32) -> (i32, i32) {
    %c0_i32 = arith.constant 0 : i32
    %c0_i32_0 = arith.constant 0 : i32
    %c0_i32_1 = arith.constant 0 : i32
    return %c0_i32, %c0_i32_0 : i32, i32
  }
  func.func @transform_3(%arg0: i32) -> (i32, i32) {
    %c0_i32 = arith.constant 0 : i32
    %c0_i32_0 = arith.constant 0 : i32
    %c0_i32_1 = arith.constant 0 : i32
    return %c0_i32, %c0_i32_0 : i32, i32
  }
  func.func @transform_4(%arg0: i32) -> (i32, i32) {
    %c0_i32 = arith.constant 0 : i32
    %c0_i32_0 = arith.constant 0 : i32
    %c0_i32_1 = arith.constant 0 : i32
    return %c0_i32, %c0_i32_0 : i32, i32
  }
  func.func @transform_5(%arg0: i32) -> (i32, i32) {
    %c0_i32 = arith.constant 0 : i32
    %c0_i32_0 = arith.constant 0 : i32
    %c0_i32_1 = arith.constant 0 : i32
    return %c0_i32, %c0_i32_0 : i32, i32
  }
  func.func @transform_6(%arg0: i32) -> (i32, i32) {
    %c0_i32 = arith.constant 0 : i32
    %c0_i32_0 = arith.constant 0 : i32
    %c0_i32_1 = arith.constant 0 : i32
    return %c0_i32, %c0_i32_0 : i32, i32
  }
  func.func @transform_7(%arg0: i32) -> (i32, i32) {
    %c0_i32 = arith.constant 0 : i32
    %c0_i32_0 = arith.constant 0 : i32
    %c0_i32_1 = arith.constant 0 : i32
    return %c0_i32, %c0_i32_0 : i32, i32
  }
  func.func @transform_8(%arg0: i32) -> (i32, i32) {
    %c0_i32 = arith.constant 0 : i32
    %c0_i32_0 = arith.constant 0 : i32
    %c0_i32_1 = arith.constant 0 : i32
    return %c0_i32, %c0_i32_0 : i32, i32
  }
  func.func @transform_9(%arg0: i32) -> (i32, i32) {
    %c0_i32 = arith.constant 0 : i32
    %c0_i32_0 = arith.constant 0 : i32
    %c0_i32_1 = arith.constant 0 : i32
    return %c0_i32, %c0_i32_0 : i32, i32
  }
  func.func @transform_10(%arg0: i32) -> (i32, i32, i32) {
    %c0_i32 = arith.constant 0 : i32
    %c0_i32_0 = arith.constant 0 : i32
    %c0_i32_1 = arith.constant 0 : i32
    %c0_i32_2 = arith.constant 0 : i32
    return %c0_i32, %c0_i32_0, %c0_i32_1 : i32, i32, i32
  }
  func.func @transform_11(%arg0: i32) -> (i32, i32) {
    %c0_i32 = arith.constant 0 : i32
    %c0_i32_0 = arith.constant 0 : i32
    %c0_i32_1 = arith.constant 0 : i32
    return %c0_i32, %c0_i32_0 : i32, i32
  }
  func.func @transform_12(%arg0: i32) -> (i32, i32, i32) {
    %c0_i32 = arith.constant 0 : i32
    %c0_i32_0 = arith.constant 0 : i32
    %c0_i32_1 = arith.constant 0 : i32
    %c0_i32_2 = arith.constant 0 : i32
    return %c0_i32, %c0_i32_0, %c0_i32_1 : i32, i32, i32
  }
  func.func @transform_13(%arg0: i32) -> (i32, i32, i32) {
    %c0_i32 = arith.constant 0 : i32
    %c0_i32_0 = arith.constant 0 : i32
    %c0_i32_1 = arith.constant 0 : i32
    %c0_i32_2 = arith.constant 0 : i32
    return %c0_i32, %c0_i32_0, %c0_i32_1 : i32, i32, i32
  }
  func.func @transform_14(%arg0: i32) -> (i32, i32, i32) {
    %c0_i32 = arith.constant 0 : i32
    %c0_i32_0 = arith.constant 0 : i32
    %c0_i32_1 = arith.constant 0 : i32
    %c0_i32_2 = arith.constant 0 : i32
    return %c0_i32, %c0_i32_0, %c0_i32_1 : i32, i32, i32
  }
  func.func @transform_15(%arg0: i32) -> (i32, i32, i32) {
    %c0_i32 = arith.constant 0 : i32
    %c0_i32_0 = arith.constant 0 : i32
    %c0_i32_1 = arith.constant 0 : i32
    %c0_i32_2 = arith.constant 0 : i32
    return %c0_i32, %c0_i32_0, %c0_i32_1 : i32, i32, i32
  }
  func.func @transform_16(%arg0: i32) -> (i32, i32, i32) {
    %c0_i32 = arith.constant 0 : i32
    %c0_i32_0 = arith.constant 0 : i32
    %c0_i32_1 = arith.constant 0 : i32
    %c0_i32_2 = arith.constant 0 : i32
    return %c0_i32, %c0_i32_0, %c0_i32_1 : i32, i32, i32
  }
  func.func @transform_17(%arg0: i32) -> (i32, i32, i32) {
    %c0_i32 = arith.constant 0 : i32
    %c0_i32_0 = arith.constant 0 : i32
    %c0_i32_1 = arith.constant 0 : i32
    %c0_i32_2 = arith.constant 0 : i32
    return %c0_i32, %c0_i32_0, %c0_i32_1 : i32, i32, i32
  }
  func.func @transform_18(%arg0: i32) -> (i32, i32, i32) {
    %c0_i32 = arith.constant 0 : i32
    %c0_i32_0 = arith.constant 0 : i32
    %c0_i32_1 = arith.constant 0 : i32
    %c0_i32_2 = arith.constant 0 : i32
    return %c0_i32, %c0_i32_0, %c0_i32_1 : i32, i32, i32
  }
  func.func @transform_19(%arg0: i32) -> (i32, i32, i32) {
    %c0_i32 = arith.constant 0 : i32
    %c0_i32_0 = arith.constant 0 : i32
    %c0_i32_1 = arith.constant 0 : i32
    %c0_i32_2 = arith.constant 0 : i32
    return %c0_i32, %c0_i32_0, %c0_i32_1 : i32, i32, i32
  }
  func.func @transform_20(%arg0: i32) -> (i32, i32, i32) {
    %c0_i32 = arith.constant 0 : i32
    %c0_i32_0 = arith.constant 0 : i32
    %c0_i32_1 = arith.constant 0 : i32
    %c0_i32_2 = arith.constant 0 : i32
    return %c0_i32, %c0_i32_0, %c0_i32_1 : i32, i32, i32
  }
  func.func @transform_21(%arg0: i32) -> (i32, i32) {
    %c0_i32 = arith.constant 0 : i32
    %c0_i32_0 = arith.constant 0 : i32
    %c0_i32_1 = arith.constant 0 : i32
    return %c0_i32, %c0_i32_0 : i32, i32
  }
  func.func @transform_22(%arg0: i32) -> (i32, i32) {
    %c0_i32 = arith.constant 0 : i32
    %c0_i32_0 = arith.constant 0 : i32
    %c0_i32_1 = arith.constant 0 : i32
    return %c0_i32, %c0_i32_0 : i32, i32
  }
  func.func @transform_23(%arg0: i32) -> (i32, i32) {
    %c0_i32 = arith.constant 0 : i32
    %c0_i32_0 = arith.constant 0 : i32
    %c0_i32_1 = arith.constant 0 : i32
    return %c0_i32, %c0_i32_0 : i32, i32
  }
  func.func @transform_24(%arg0: i32) -> (i32, i32) {
    %c0_i32 = arith.constant 0 : i32
    %c0_i32_0 = arith.constant 0 : i32
    %c0_i32_1 = arith.constant 0 : i32
    return %c0_i32, %c0_i32_0 : i32, i32
  }
  func.func @transform_25(%arg0: i32) -> (i32, i32, i32) {
    %c0_i32 = arith.constant 0 : i32
    %c0_i32_0 = arith.constant 0 : i32
    %c0_i32_1 = arith.constant 0 : i32
    return %arg0, %c0_i32, %c0_i32_0 : i32, i32, i32
  }
  func.func @transform_26(%arg0: i32) -> (i32, i32, i32) {
    %c0_i32 = arith.constant 0 : i32
    %c0_i32_0 = arith.constant 0 : i32
    %c0_i32_1 = arith.constant 0 : i32
    return %arg0, %c0_i32, %c0_i32_0 : i32, i32, i32
  }
  func.func @transform_27(%arg0: i32) -> (i32, i32, i32) {
    %c0_i32 = arith.constant 0 : i32
    %c0_i32_0 = arith.constant 0 : i32
    %c0_i32_1 = arith.constant 0 : i32
    return %arg0, %c0_i32, %c0_i32_0 : i32, i32, i32
  }
}

</mosaic_0001>

<sc_bundles>
// kernel: sparse-core-data-format-call.1.cloned.1.call-start
scs
called_computation.1_lowered:
.L_overlay_start_0:
0x0: {  	s2 =	sld [smem:$0x3FD9]  }
0x1: {  	s3 =	sld [smem:$0x3FFE];
	_ =	sdelay $0x1  }
0x2: {  	s1 =	srdreg.scid  }
0x3: {  	s0 =	sand.u32 $0x1, s1  }
0x4: {  	s15 =	sshll.u32 s0, $0xA;
	s2 =	sadd.s32 s3, s2  }
0x5: {  	s2 =	sadd.s32 s2, s15  }
0x6: {  	[smem:$0x3FAC] =	sst s2  }
0x7: {  	_ = 	snop  }
0x8: {  	s2 =	sld [smem:$0x3FD0];
	_ =	sdelay $0x2  }
0x9: {  	s16 =	simm.s32 $0xA;
	s4 =	simm.s32 $0x10  }
0xa: {  	[smem:s4], [sflag:s16] =	dma.local [hbm:s2], $0x1  }
0xb: {  	_ =	swait.eq [sflag:s16], $0x1  }
0xc: {  	[sflag:s16] =	ssyncset.done $0x0  }
0xd: {  	[sflag:s16] =	ssyncadd.s32 $0xFFFFFFFF  }
0xe: {  	s17 =	sld [smem:$0x12];
	(tm) =	ssettm $0x1  }
0xf: {  	s18 =	sld [smem:$0x3FFB];
	_ =	sdelay $0x3  }
0x10: {  	_ =	strace s18  }
0x11: {  	s3 =	sld [smem:$0x3FFC];
	_ =	sdelay $0x3  }
0x12: {  	_ =	strace s3  }
0x13: {  	s3 =	sld [smem:$0x3FFD];
	_ =	sdelay $0x3  }
0x14: {  	_ =	strace s3  }
0x15: {  	_ =	strace $0x8FFFFFFF  }
0x16: {  	s19 =	sld [smem:$0x3FDB];
	_ =	sdelay $0x1  }
0x17: {  	s20 =	simm.s32 $_scs_section_size  }
0x18: {  	s5 =	simm.s32 $_size__tile_overlayer_lowered;
	s6 =	simm.s32 $_tile_overlayer_lowered  }
0x19: {  	s23 =	simm.s32 $0x1BFF;
	s22 =	sshll.u32 s6, $0x1;
	s3 =	sadd.s32 s20, s19  }
0x1a: {  	s7 =	simm.s32 $0x0;
	s21 =	sshll.u32 s5, $0x1;
	s5 =	sadd.s32 s22, s3  }
0x1b: {  	[timem:s7], [sflag:s23] =	dma.local [hbm:s5], s21  }
0x1c: {  	_ =	swait.ge [sflag:s23], s21  }
0x1d: {  	s4 =	ssub.s32 $0x0, s21;
	[sflag:s23] =	ssyncset.done $0x0  }
0x1e: {  	[sflag:s23] =	ssyncadd.s32 s4;
	_ =	sdelay $0x1  }
0x1f: {  	s24 =	simm.s32 $0x1B8B  }
0x20: {  	_ =	swait.ge [sflag:s24], $0x1  }
0x21: {  	[sflag:s24] =	ssyncset.done $0x0  }
0x22: {  	s26 =	simm.s32 $0x1B8E;
	s25 =	sld [smem:$0x3FFE];
	[sflag:s24] =	ssyncadd.s32 $0xFFFFFFFF  }
0x23: {  	s27 =	simm.s32 $execute0_lowered;
	[smem:$0x3FD2] =	sst s26  }
0x24: {  	s5 =	sshll.u32 s27, $0x1;
	_ =	strace $0x80000046;
	[dreg:$0x1] =	wrdreg $0xFFFFFFFF  }
0x25: {  	s28 =	simm.s32 $_size_execute0_lowered;
	s3 =	sadd.s32 s3, s5;
	[dreg:$0x0] =	wrdreg $0x0  }
0x26: {  	s5 =	sshll.u32 s28, $0x1;
	[dreg:$0x2] =	wrdreg s3  }
0x27: {  	[dreg:$0x3] =	wrdreg s5  }
0x28: {  	[dreg:$0x4] =	wrdreg $0xC0  }
0x29: {  	_ =	task [dreg:s7], $0x5FFFF  }
0x2a: {  	[dreg:$0x1] =	wrdreg $0xFFFFFFFF  }
0x2b: {  	[dreg:$0x0] =	wrdreg $0x60  }
0x2c: {  	[dreg:$0x2] =	wrdreg s17  }
0x2d: {  	[dreg:$0x3] =	wrdreg s25  }
0x2e: {  	[dreg:$0x4] =	wrdreg $0x9  }
0x2f: {  	_ =	task.clear_ibuf [dreg:s7], $0x5FFFF;
	_ =	strace $0x90000046  }
0x30: {  	s29 =	simm.s32 $0x9;
	_ =	strace $0x80000048  }
0x31: {  	_ =	swait.ge [sflag:s29], $0x1  }
0x32: {  	[sflag:s29] =	ssyncadd.s32 $0xFFFFFFFF  }
0x33: {  	_ =	strace $0x90000048  }
0x34: {  	_ =	sfence  }
0x35: {  	s30 =	sld [smem:$0x0];
	_ =	sdelay $0x2  }
0x36: {  	s31 =	sshll.u32 s1, $0xD;
	s1 =	sshrl.u32 s1, $0x2  }
0x37: {  	s3 =	sand.u32 $0x4000, s31;
	s1 =	sadd.s32 s1, s30  }
0x38: {  	s0 =	sor.u32 s3, s0;
	s1 =	sshll.u32 s1, $0x11  }
0x39: {  	s0 =	sor.u32 s1, s0  }
0x3a: {  	s0 =	sadd.s32 $0x8F2B, s0  }
0x3b: {  	[sflag:s0] =	ssyncadd.remote.s32 $0x1  }
0x3c: {  	_ =	sfence.sel $0xFFFF  }
0x3d: {  	[dreg:$0x0] =	wrdreg $0xFFFFFFFF;
	(pc) =	sbr.abs _section_cstart, $3  }
0x3e: {  	[dreg:$0x1] =	wrdreg $0xFFFFFFFF  }
0x3f: {  	_ =	task.clear_ibuf [dreg:s7], $0x2FFFF;
	_ =	strace $0x9FFFFFFF  }
0x40: {  	(tm) =	ssettm $0x7FFFFFFF  }
0x41: {  	_ =	shalt  }
tec
execute0_lowered:
.L_overlay_start_1:
0x0: {  	(tag) =	ssettag $0x1  }
0x1: {  	s2 =	rddreg [dreg:$0x0]  }
0x2: {  	s7 =	rddreg [dreg:$0x1];
	s1 =	stileid.u32  }
0x3: {  	s3 =	srdreg.scid;
	s0 =	rddreg [dreg:$0x2]  }
0x4: {  	_ =	strace $0x80000047;
	s31 =	simm.s32 $0x2;
	s19 =	simm.s32 $0x0  }
0x5: {  	p0 =	por $0x0, $0x0;
	s16 =	simm.s32 $0x0;
	s18 =	simm.s32 $0x0  }
0x6: {  	s17 =	simm.s32 $0x0;
	s14 =	simm.s32 $0x0;
	s4 =	sand.u32 $0x1, s1  }
0x7: {  	s15 =	simm.s32 $0x0;
	s3 =	sand.u32 $0x1, s3;
	s5 =	ssub.s32 $0x2, s4  }
0x8: {  	s7 =	sadd.s32 $0x1D6600, s7;
	s6 =	ssub.s32 $0x40, s3;
	s8 =	sshrl.u32 s5, $0x1  }
.Ltmp0:
0x9: {  	s9 =	sand.u32 $0x1, s5;
	s10 =	sshrl.u32 s6, $0x1;
	(pc) =	sbr.rel .LBB1_1-.Ltmp0, $4  }
0xa: {  	s11 =	smov.u32 s3;
	s8 =	sadd.s32 s9, s8;
	s6 =	ssub.s32 s6, s10  }
0xb: {  	s13 =	smov.u32 s4;
	s5 =	simm.s32 $0x1;
	s6 =	smul.u32 s8, s6  }
0xc: {  	[sflag:s5] =	ssyncpa.u1 $0x0;
	s10 =	simm.s32 $0x20000;
	s8 =	sshrl.u32 s1, $0x1  }
0xd: {  	[sflag:s31] =	ssyncpa.u1 $0x0;
	s12 =	smov.u32 s8;
	s9 =	sadd.s32 $0x1, s6  }
.LBB1_4:
0xe: {  	v5 =	vld [tilespmem:s22+$0xFFFFFFD0];
	[tilespmem:s23+$0x2040 ss:$0x81] =	vst.msk $0xffff, v1  }
0xf: {  	v58 =	vld [tilespmem:s22+$0xFFFFFFE0];
	[tilespmem:s23+$0x2850 ss:$0x81] =	vst.msk $0xffff, v2  }
0x10: {  	s24 =	sshra.s32 s24, $0x2;
	v59 =	vld [tilespmem:s22+$0xFFFFFFF0];
	[tilespmem:s23+$0x3060 ss:$0x81] =	vst.msk $0xffff, v3  }
0x11: {  	v60 =	vld [tilespmem:s22+$0x0];
	[tilespmem:s23+$0x0 ss:$0x81] =	vst.msk $0xffff, v0;
	s21 =	sadd.s32 s24, s21  }
0x12: {  	v61 =	vld [tilespmem:s22+$0x10];
	[tilespmem:s21+$0x3870 ss:$0x81] =	vst.msk $0xffff, v4  }
0x13: {  	s19 =	sshll.u32 s19, $0x7;
	s27 =	sshll.u32 s17, $0x3;
	v62 =	vld [tilespmem:s22+$0x20];
	s18 =	sshll.u32 s18, $0xA;
	[tilespmem:s21+$0x810 ss:$0x81] =	vst.msk $0xffff, v5  }
0x14: {  	v63 =	vld [tilespmem:s22+$0xFFFFFFC0];
	s30 =	sshrl.u32 s17, $0x3;
	s28 =	sand.u32 $0x1C00, s19;
	s23 =	sand.u32 $0x1C00, s27;
	[tilespmem:s21+$0x1020 ss:$0x81] =	vst.msk $0xffff, v58  }
0x15: {  	s16 =	sshll.u32 s16, $0xB;
	s19 =	sand.u32 $0x380, s19;
	s29 =	sadd.s32 s23, s28;
	[tilespmem:s21+$0x1830 ss:$0x81] =	vst.msk $0xffff, v59  }
0x16: {  	s22 =	sand.u32 $0xF, s30;
	s18 =	sadd.s32 s7, s18;
	s19 =	sor.u32 s19, s29;
	[tilespmem:s21+$0x2040 ss:$0x81] =	vst.msk $0xffff, v60  }
0x17: {  	s31 =	sand.u32 $0x7, s17;
	s18 =	sadd.s32 s22, s18;
	s19 =	sshrl.u32 s19, $0x3;
	[tilespmem:s21+$0x2850 ss:$0x81] =	vst.msk $0xffff, v61  }
0x18: {  	s17 =	sshll.u32 s31, $0x12;
	s16 =	sadd.s32 s16, s18;
	[tilespmem:s21+$0x3060 ss:$0x81] =	vst.msk $0xffff, v62;
	s19 =	sand.u32 $0x3F0, s19  }
0x19: {  	s17 =	sor.u32 $0x80, s17;
	[tilespmem:s21+$0x0 ss:$0x81] =	vst.msk $0xffff, v63;
	s16 =	sadd.s32 s19, s16  }
0x1a: {  	[hbm4b:s16+s17] =	stream.strided.scatter [tilespmem:s20], [sflag:$0x2], $0x4000, s10, s17, $0x20;
	[tilespmem:$0x10100] =	vst v63  }
.LBB1_5:
0x1b: {  	s20 =	sadd.s32 $0x2, s11  }
0x1c: {  	s16 =	sadd.s32 $0x8, s12;
	s21 =	smov.u32 s12;
	p2 =	sgt.s32 s20, $0x3F  }
0x1d: {  	s21 =	smov.u32 @p2 s16  }
0x1e: {  	s22 =	smov.u32 s13;
	s16 =	sadd.s32 $0x2, s13;
	p3 =	sgt.s32 s21, $0x7  }
0x1f: {  	s22 =	smov.u32 @p3 s16  }
0x20: {  	s23 =	smov.u32 s14;
	s16 =	sadd.s32 $0x80, s14;
	p4 =	sgt.s32 s22, $0x1  }
0x21: {  	p1 =	slt.u32 s15, $0x2;
	s23 =	smov.u32 @p4 s16  }
0x22: {  	s19 =	smov.u32 s11;
	s20 =	smov.u32 @p2 s3;
	p2 =	sgt.s32 s23, $0x63  }
0x23: {  	s24 =	simm.s32 @!p1 $0x2;
	s23 =	simm.s32 @p2 $0x0;
	p2 =	sne.s32 s15, s9  }
.Ltmp1:
0x24: {  	s18 =	smov.u32 s13;
	_ =	swait.ge @!p1 [sflag:s24], $0x4000;
	(pc) =	sbr.rel @!p2 .LBB1_6-.Ltmp1, $4  }
0x25: {  	s17 =	smov.u32 s14;
	p0 =	por !p0, !p0;
	[sflag:s24] =	ssyncset.done @!p1 $0x0  }
0x26: {  	s11 =	smov.u32 s20;
	s21 =	smov.u32 @p3 s8;
	[sflag:s24] =	ssyncadd.s32 @!p1 $0xFFFFC000  }
0x27: {  	s22 =	smov.u32 @p4 s4;
	s16 =	smov.u32 s12;
	s12 =	smov.u32 s21  }
0x28: {  	s13 =	smov.u32 s22;
	s15 =	sadd.s32 $0x1, s15;
	s14 =	smov.u32 s23  }
.LBB1_1:
0x29: {  	p1 =	sge.u32 s15, s6  }
0x2a: {  	p2 =	sgt.s32 @!p1 s14, $0xFFFFFFE4  }
0x2b: {  	s20 =	smov.u32 s14;
	s21 =	sshra.s32 @!p1 s14, $0x1F;
	p2 =	por !p2, p1  }
0x2c: {  	s21 =	sand.u32 @!p1 s21, s14;
	s20 =	simm.s32 @p2 $0xFFFFFFE4  }
0x2d: {  	s24 =	smov.u32 s12;
	s20 =	ssub.s32 @!p1 s20, s21  }
0x2e: {  	s31 =	sadd.s32 $0xFFFFFFFF, s15;
	s22 =	sxor.u32 @!p1 $0xFFFFFFFF, s15;
	s21 =	sadd.s32 @!p1 $0x1C, s20  }
0x2f: {  	p3 =	sgt.s32 @!p1 s13, $0x1;
	s23 =	sshra.s32 @!p1 s13, $0x1F;
	p2 =	sgt.s32 @!p1 s21, $0x7F  }
0x30: {  	s25 =	sshra.s32 @!p1 s12, $0x1F;
	s20 =	ssub.s32 @!p1 $0x64, s20;
	p2 =	por !p2, p1  }
0x31: {  	s21 =	smov.u32 s13;
	s20 =	simm.s32 @!p2 $0x0;
	p2 =	por !p3, p1  }
0x32: {  	s23 =	sand.u32 @!p1 s23, s13;
	s21 =	simm.s32 @p2 $0x1;
	p2 =	sgt.s32 @!p1 s12, $0x7  }
0x33: {  	s25 =	sand.u32 @!p1 s25, s12;
	s23 =	sxor.u32 @!p1 $0xFFFFFFFF, s23;
	p2 =	por !p2, p1  }
0x34: {  	s21 =	sadd.s32 @!p1 s23, s21;
	s24 =	simm.s32 @p2 $0x7;
	p2 =	sgt.s32 @!p1 s11, $0x3F  }
0x35: {  	p3 =	sgt.s32 @!p1 s21, $0x0;
	s21 =	sshll.u32 @!p1 s21, $0x7;
	s23 =	ssub.s32 @!p1 s24, s25  }
0x36: {  	p2 =	por !p2, p1;
	s24 =	smov.u32 s11;
	s25 =	sadd.s32 @!p1 $0xFFFFFFF9, s23  }
0x37: {  	s24 =	simm.s32 @p2 $0x3F;
	p2 =	sgt.s32 @!p1 s25, $0x0;
	s25 =	sshra.s32 @!p1 s11, $0x1F  }
0x38: {  	s21 =	ssub.s32 @!p1 $0x80, s21;
	p3 =	por !p3, p1;
	s25 =	sand.u32 @!p1 s25, s11  }
0x39: {  	s23 =	ssub.s32 @!p1 $0x8, s23;
	s21 =	simm.s32 @!p3 $0x0;
	s24 =	ssub.s32 @!p1 s24, s25  }
0x3a: {  	s20 =	smul.u32 @!p1 s20, s21;
	p2 =	por !p2, p1;
	s25 =	sadd.s32 @!p1 $0xFFFFFFC1, s24  }
0x3b: {  	s21 =	sshll.u32 @!p1 s22, $0xE;
	s23 =	simm.s32 @!p2 $0x0;
	p2 =	sgt.s32 @!p1 s25, $0x0  }
0x3c: {  	s22 =	ssub.s32 @!p1 $0x40, s24;
	s20 =	smul.u32 @!p1 s23, s20;
	p2 =	por !p2, p1  }
0x3d: {  	s21 =	sand.u32 @!p1 $0x4000, s21;
	s23 =	sshll.u32 @!p1 s14, $0xE;
	s22 =	simm.s32 @!p2 $0x0  }
0x3e: {  	s23 =	sadd.s32 @!p1 s2, s23;
	s20 =	smul.u32 @!p1 s22, s20;
	s22 =	sshll.u32 @!p1 s13, $0xD  }
0x3f: {  	s24 =	sshll.u32 @!p1 s12, $0xA;
	s25 =	sshll.u32 @!p1 s11, $0x4;
	s22 =	sadd.s32 @!p1 s22, s23  }
0x40: {  	s23 =	sand.u32 @!p1 $0x3F0, s25;
	s20 =	sand.u32 @!p1 $0x3FFFFF80, s20;
	s22 =	sadd.s32 @!p1 s24, s22  }
0x41: {  	s24 =	simm.s32 @!p1 $0x20000;
	s22 =	sadd.s32 @!p1 s23, s22;
	s23 =	simm.s32 @!p1 $0x80  }
0x42: {  	[tilespmem:s21], [sflag:$0x1] =	stream.strided.gather @!p1 [hbm4b:s22+s23], s20, s24, s23, $0x38;
	[tilespmem:$0x10100] =	vst v63  }
0x43: {  	p1 =	sge.u32 s31, s6  }
.Ltmp2:
0x44: {  	_ = 	snop;
	(pc) =	sbr.rel @p1 .LBB1_5-.Ltmp2, $1  }
0x45: {  	_ =	sdelay $0x3  }
0x46: {  	p1 =	sgt.s32 s17, $0xFFFFFFE4  }
0x47: {  	s20 =	smov.u32 s17;
	s21 =	sshra.s32 s17, $0x1F;
	p2 =	sgt.s32 s18, $0x1  }
0x48: {  	s22 =	sshra.s32 s18, $0x1F;
	s23 =	smov.u32 s16;
	s24 =	sshra.s32 s16, $0x1F  }
0x49: {  	s25 =	sshra.s32 s19, $0x1F;
	s20 =	simm.s32 @!p1 $0xFFFFFFE4;
	s21 =	sand.u32 s21, s17  }
0x4a: {  	s22 =	sand.u32 s22, s18;
	s26 =	sand.u32 s24, s16;
	s20 =	ssub.s32 s20, s21  }
0x4b: {  	s24 =	smov.u32 s19;
	s27 =	sand.u32 s25, s19;
	s21 =	sadd.s32 $0x1C, s20  }
0x4c: {  	s22 =	sxor.u32 $0xFFFFFFFF, s22;
	p1 =	sgt.s32 s21, $0x7F;
	s21 =	smov.u32 s18  }
0x4d: {  	s20 =	ssub.s32 $0x64, s20;
	s21 =	simm.s32 @!p2 $0x1;
	p2 =	sgt.s32 s16, $0x7  }
0x4e: {  	s20 =	simm.s32 @p1 $0x0;
	s21 =	sadd.s32 s22, s21;
	s23 =	simm.s32 @!p2 $0x7  }
0x4f: {  	p2 =	sgt.s32 s19, $0x3F;
	p1 =	sgt.s32 s21, $0x0;
	s21 =	sshll.u32 s21, $0x7  }
0x50: {  	s22 =	ssub.s32 s23, s26;
	s24 =	simm.s32 @!p2 $0x3F;
	s21 =	ssub.s32 $0x80, s21  }
0x51: {  	s23 =	sadd.s32 $0xFFFFFFF9, s22;
	s22 =	ssub.s32 $0x8, s22;
	s21 =	simm.s32 @p1 $0x0  }
0x52: {  	p2 =	sgt.s32 s23, $0x0;
	s23 =	ssub.s32 s24, s27;
	s20 =	smul.u32 s20, s21  }
0x53: {  	s22 =	simm.s32 @p2 $0x0;
	s28 =	sadd.s32 $0xFFFFFFC1, s23  }
0x54: {  	s21 =	ssub.s32 $0x40, s23;
	p1 =	sgt.s32 s28, $0x0;
	s20 =	smul.u32 s22, s20  }
0x55: {  	s21 =	simm.s32 @p1 $0x0  }
0x56: {  	s20 =	smul.u32 s21, s20;
	_ =	sdelay $0x1  }
0x57: {  	s21 =	simm.s32 $0x1;
	s20 =	sand.u32 $0x3FFFFF80, s20  }
0x58: {  	s21 =	simm.s32 @!p0 $0x0;
	_ =	swait.ge [sflag:s5], s20  }
0x59: {  	s29 =	sshll.u32 s21, $0xE;
	s20 =	ssub.s32 $0x0, s20;
	[sflag:s5] =	ssyncset.done $0x0  }
0x5a: {  	s22 =	sor.u32 $0x40, s29;
	[sflag:s5] =	ssyncadd.s32 s20  }
0x5b: {  	s30 =	smul.u32 $0x10200, s21;
	v0 =	vld [tilespmem:s22+$0x30]  }
0x5c: {  	v3 =	vld [tilespmem:s22+$0xFFFFFFD0]  }
0x5d: {  	s20 =	sshrl.u32 s30, $0x2;
	v4 =	vld [tilespmem:s22+$0xFFFFFFE0]  }
0x5e: {  	s21 =	sor.u32 $0x8000, s20;
	v5 =	vld [tilespmem:s22+$0xFFFFFFF0]  }
0x5f: {  	s31 =	sand.u32 $0x1, s15;
	v1 =	vld [tilespmem:s22+$0x0];
	s23 =	sadd.s32 $0x0, s21  }
0x60: {  	s20 =	smul.u32 $0x10200, s31;
	v2 =	vld [tilespmem:s22+$0x10];
	[tilespmem:s23+$0x3870 ss:$0x81] =	vst.msk $0xffff, v0  }
0x61: {  	[tilespmem:s23+$0x810 ss:$0x81] =	vst.msk $0xffff, v3;
	v3 =	vld [tilespmem:s22+$0x20]  }
0x62: {  	s20 =	sshrl.u32 s20, $0x2;
	v0 =	vld [tilespmem:s22+$0xFFFFFFC0];
	[tilespmem:s23+$0x1020 ss:$0x81] =	vst.msk $0xffff, v4;
	s22 =	sadd.s32 $0x80, s22  }
0x63: {  	s25 =	simm.s32 $0x8;
	s24 =	simm.s32 $0x4;
	s20 =	sor.u32 $0x8000, s20;
	[tilespmem:s23+$0x1830 ss:$0x81] =	vst.msk $0xffff, v5;
	v4 =	vld [tilespmem:s22+$0x30]  }
.LBB1_3:
0x64: {  	p1 =	sne.s32 s25, $0x1FC;
	v5 =	vld [tilespmem:s22+$0xFFFFFFD0];
	[tilespmem:s23+$0x2040 ss:$0x81] =	vst.msk $0xffff, v1  }
0x65: {  	v6 =	vld [tilespmem:s22+$0xFFFFFFE0];
	[tilespmem:s23+$0x2850 ss:$0x81] =	vst.msk $0xffff, v2  }
0x66: {  	s26 =	sshra.s32 s24, $0x2;
	s24 =	smov.u32 s25;
	v7 =	vld [tilespmem:s22+$0xFFFFFFF0];
	[tilespmem:s23+$0x3060 ss:$0x81] =	vst.msk $0xffff, v3  }
.Ltmp3:
0x67: {  	v1 =	vld [tilespmem:s22+$0x0];
	[tilespmem:s23+$0x0 ss:$0x81] =	vst.msk $0xffff, v0;
	s23 =	sadd.s32 s26, s21;
	(pc) =	sbr.rel @p1 .LBB1_3-.Ltmp3, $4  }
0x68: {  	v2 =	vld [tilespmem:s22+$0x10];
	[tilespmem:s23+$0x3870 ss:$0x81] =	vst.msk $0xffff, v4  }
0x69: {  	[tilespmem:s23+$0x810 ss:$0x81] =	vst.msk $0xffff, v5;
	v3 =	vld [tilespmem:s22+$0x20]  }
0x6a: {  	v0 =	vld [tilespmem:s22+$0xFFFFFFC0];
	[tilespmem:s23+$0x1020 ss:$0x81] =	vst.msk $0xffff, v6;
	s22 =	sadd.s32 $0x80, s22  }
0x6b: {  	s25 =	sadd.s32 $0x4, s25;
	v4 =	vld [tilespmem:s22+$0x30];
	[tilespmem:s23+$0x1830 ss:$0x81] =	vst.msk $0xffff, v7  }
.Ltmp4:
0x6c: {  	_ = 	snop;
	(pc) =	sbr.rel .LBB1_4-.Ltmp4, $1  }
0x6d: {  	_ =	sdelay $0x3  }
.LBB1_6:
0x6e: {  	_ =	sfence.sel $0x180000  }
0x6f: {  	s2 =	simm.s32 $0x1;
	[bflag:$0x0] =	sbarrier.arrive $0xFFFF  }
0x70: {  	s31 =	simm.s32 $0x2;
	[sflag:s2] =	ssyncpa.u1 $0x1  }
0x71: {  	[sflag:s31] =	ssyncpa.u1 $0x1  }
0x72: {  	p0 =	sne.s32 s1, $0x0;
	_ =	strace $0x90000047  }
0x73: {  	s0 =	sadd.s32 @!p0 $0x100000, s0;
	[bflag:$0x2] =	sbarrier.arrive $0xFFFF  }
0x74: {  	[sflag:s0] =	ssyncadd.tile.s32 @!p0 $0x1;
	_ =	shalt  }
.Lfunc_end1:
_tile_overlayer_lowered:
.L_overlay_start_2:
0x75: {  	(tag) =	ssettag $0x2  }
0x76: {  	s0 =	rddreg [dreg:$0x0];
	s2 =	stileid.u32  }
0x77: {  	s1 =	rddreg [dreg:$0x1];
	p0 =	sne.s32 s2, $0x0  }
0x78: {  	s3 =	rddreg [dreg:$0x2];
	[bflag:$0x3] =	sbarrier.arrive $0xFFFF;
	s2 =	simm.s32 @!p0 $0x1C01  }
0x79: {  	[timem:s3], [sflag:s2] =	dma.local @!p0 [hbm:s0], s1  }
0x7a: {  	s0 =	simm.s32 @!p0 $0x1  }
0x7b: {  	_ =	swait.ge @!p0 [sflag:s0], s1  }
0x7c: {  	s1 =	ssub.s32 @!p0 $0x0, s1;
	[sflag:s0] =	ssyncset.done @!p0 $0x0  }
0x7d: {  	[sflag:s0] =	ssyncadd.s32 @!p0 s1  }
0x7e: {  	[bflag:$0x3] =	sbarrier.arrive $0xFFFF  }
0x7f: {  	_ =	shalt  }

// kernel: sparse-core-data-format-call.cloned.1.call-start
scs
called_computation_lowered:
.L_overlay_start_0:
0x0: {  	s2 =	sld [smem:$0x3FD9]  }
0x1: {  	s3 =	sld [smem:$0x3FFE];
	_ =	sdelay $0x1  }
0x2: {  	s1 =	srdreg.scid  }
0x3: {  	s0 =	sand.u32 $0x1, s1  }
0x4: {  	s15 =	sshll.u32 s0, $0xA;
	s2 =	sadd.s32 s3, s2  }
0x5: {  	s2 =	sadd.s32 s2, s15  }
0x6: {  	[smem:$0x3FAC] =	sst s2  }
0x7: {  	_ = 	snop  }
0x8: {  	s2 =	sld [smem:$0x3FD0];
	_ =	sdelay $0x2  }
0x9: {  	s16 =	simm.s32 $0xA;
	s4 =	simm.s32 $0x10  }
0xa: {  	[smem:s4], [sflag:s16] =	dma.local [hbm:s2], $0x1  }
0xb: {  	_ =	swait.eq [sflag:s16], $0x1  }
0xc: {  	[sflag:s16] =	ssyncset.done $0x0  }
0xd: {  	[sflag:s16] =	ssyncadd.s32 $0xFFFFFFFF  }
0xe: {  	s17 =	sld [smem:$0x12];
	(tm) =	ssettm $0x1  }
0xf: {  	s18 =	sld [smem:$0x3FFB];
	_ =	sdelay $0x3  }
0x10: {  	_ =	strace s18  }
0x11: {  	s3 =	sld [smem:$0x3FFC];
	_ =	sdelay $0x3  }
0x12: {  	_ =	strace s3  }
0x13: {  	s3 =	sld [smem:$0x3FFD];
	_ =	sdelay $0x3  }
0x14: {  	_ =	strace s3  }
0x15: {  	_ =	strace $0x8FFFFFFF  }
0x16: {  	s19 =	sld [smem:$0x3FDB];
	_ =	sdelay $0x1  }
0x17: {  	s20 =	simm.s32 $_scs_section_size  }
0x18: {  	s5 =	simm.s32 $_size__tile_overlayer_lowered;
	s6 =	simm.s32 $_tile_overlayer_lowered  }
0x19: {  	s23 =	simm.s32 $0x1BFF;
	s22 =	sshll.u32 s6, $0x1;
	s3 =	sadd.s32 s20, s19  }
0x1a: {  	s7 =	simm.s32 $0x0;
	s21 =	sshll.u32 s5, $0x1;
	s5 =	sadd.s32 s22, s3  }
0x1b: {  	[timem:s7], [sflag:s23] =	dma.local [hbm:s5], s21  }
0x1c: {  	_ =	swait.ge [sflag:s23], s21  }
0x1d: {  	s4 =	ssub.s32 $0x0, s21;
	[sflag:s23] =	ssyncset.done $0x0  }
0x1e: {  	[sflag:s23] =	ssyncadd.s32 s4;
	_ =	sdelay $0x1  }
0x1f: {  	s24 =	simm.s32 $0x1B8B  }
0x20: {  	_ =	swait.ge [sflag:s24], $0x1  }
0x21: {  	[sflag:s24] =	ssyncset.done $0x0  }
0x22: {  	s26 =	simm.s32 $0x1B8E;
	s25 =	sld [smem:$0x3FFE];
	[sflag:s24] =	ssyncadd.s32 $0xFFFFFFFF  }
0x23: {  	s27 =	simm.s32 $execute0_lowered;
	[smem:$0x3FD2] =	sst s26  }
0x24: {  	s5 =	sshll.u32 s27, $0x1;
	_ =	strace $0x80000049;
	[dreg:$0x1] =	wrdreg $0xFFFFFFFF  }
0x25: {  	s28 =	simm.s32 $_size_execute0_lowered;
	s3 =	sadd.s32 s3, s5;
	[dreg:$0x0] =	wrdreg $0x0  }
0x26: {  	s5 =	sshll.u32 s28, $0x1;
	[dreg:$0x2] =	wrdreg s3  }
0x27: {  	[dreg:$0x3] =	wrdreg s5  }
0x28: {  	[dreg:$0x4] =	wrdreg $0xC0  }
0x29: {  	_ =	task [dreg:s7], $0x5FFFF  }
0x2a: {  	[dreg:$0x1] =	wrdreg $0xFFFFFFFF  }
0x2b: {  	[dreg:$0x0] =	wrdreg $0x60  }
0x2c: {  	[dreg:$0x2] =	wrdreg s25  }
0x2d: {  	[dreg:$0x3] =	wrdreg s17  }
0x2e: {  	[dreg:$0x4] =	wrdreg $0x9  }
0x2f: {  	_ =	task.clear_ibuf [dreg:s7], $0x5FFFF;
	_ =	strace $0x90000049  }
0x30: {  	s29 =	simm.s32 $0x9;
	_ =	strace $0x8000004B  }
0x31: {  	_ =	swait.ge [sflag:s29], $0x1  }
0x32: {  	[sflag:s29] =	ssyncadd.s32 $0xFFFFFFFF  }
0x33: {  	_ =	strace $0x9000004B  }
0x34: {  	_ =	sfence  }
0x35: {  	s30 =	sld [smem:$0x0];
	_ =	sdelay $0x2  }
0x36: {  	s31 =	sshll.u32 s1, $0xD;
	s1 =	sshrl.u32 s1, $0x2  }
0x37: {  	s3 =	sand.u32 $0x4000, s31;
	s1 =	sadd.s32 s1, s30  }
0x38: {  	s0 =	sor.u32 s3, s0;
	s1 =	sshll.u32 s1, $0x11  }
0x39: {  	s0 =	sor.u32 s1, s0  }
0x3a: {  	s0 =	sadd.s32 $0x8F2B, s0  }
0x3b: {  	[sflag:s0] =	ssyncadd.remote.s32 $0x1  }
0x3c: {  	_ =	sfence.sel $0xFFFF  }
0x3d: {  	[dreg:$0x0] =	wrdreg $0xFFFFFFFF;
	(pc) =	sbr.abs _section_cstart, $3  }
0x3e: {  	[dreg:$0x1] =	wrdreg $0xFFFFFFFF  }
0x3f: {  	_ =	task.clear_ibuf [dreg:s7], $0x2FFFF;
	_ =	strace $0x9FFFFFFF  }
0x40: {  	(tm) =	ssettm $0x7FFFFFFF  }
0x41: {  	_ =	shalt  }
tec
execute0_lowered:
.L_overlay_start_1:
0x0: {  	(tag) =	ssettag $0x1  }
0x1: {  	s4 =	rddreg [dreg:$0x0]  }
0x2: {  	s2 =	rddreg [dreg:$0x1]  }
0x3: {  	s0 =	rddreg [dreg:$0x2];
	_ =	strace $0x8000004A  }
0x4: {  	s3 =	srdreg.scid;
	s1 =	stileid.u32;
	s6 =	simm.s32 $0x2  }
.Ltmp0:
0x5: {  	s11 =	simm.s32 $0x0;
	p0 =	por $0x0, $0x0;
	(pc) =	sbr.rel .LBB1_1-.Ltmp0, $4  }
0x6: {  	s7 =	simm.s32 $0x20000;
	s9 =	simm.s32 $0x0;
	s5 =	sshll.u32 s3, $0x4  }
0x7: {  	s8 =	simm.s32 $0x0;
	s3 =	simm.s32 $0x1;
	s5 =	sand.u32 $0x10, s5  }
0x8: {  	s4 =	sadd.s32 $0x1D6600, s4;
	[sflag:s3] =	ssyncpa.u1 $0x0;
	s5 =	sor.u32 s1, s5  }
0x9: {  	[sflag:s6] =	ssyncpa.u1 $0x0;
	s6 =	simm.s32 $0x80;
	s10 =	smov.u32 s5  }
.LBB1_5:
0xa: {  	p1 =	slt.u32 s8, $0x2  }
0xb: {  	p2 =	sgt.s32 @!p1 s11, $0x3FF  }
0xc: {  	s12 =	smov.u32 s11;
	s13 =	sshra.s32 @!p1 s11, $0x1F;
	p2 =	por !p2, p1  }
0xd: {  	s11 =	sand.u32 @!p1 s13, s11;
	s12 =	simm.s32 @p2 $0x3FF  }
0xe: {  	s11 =	ssub.s32 @!p1 s12, s11  }
0xf: {  	s12 =	ssub.s32 @!p1 $0x400, s11  }
0x10: {  	s11 =	sadd.s32 @!p1 $0xFFFFFC01, s11;
	s12 =	smul.u32 @!p1 $0xC800, s12  }
0x11: {  	p2 =	sgt.s32 @!p1 s11, $0x0  }
0x12: {  	s13 =	sadd.s32 $0x20, s10;
	p2 =	por !p2, p1;
	s11 =	sshrl.u32 @!p1 s12, $0x2  }
0x13: {  	s8 =	sadd.s32 $0x1, s8;
	s11 =	simm.s32 @!p2 $0x0;
	p2 =	sgt.s32 s13, $0x3FF  }
0x14: {  	s13 =	smov.u32 @p2 s5;
	p2 =	sne.s32 s8, $0x22  }
.Ltmp1:
0x15: {  	_ = 	snop;
	(pc) =	sbr.rel @!p2 .LBB1_6-.Ltmp1, $4  }
0x16: {  	s12 =	simm.s32 @!p1 $0x2  }
0x17: {  	p0 =	por !p0, !p0;
	_ =	swait.ge @!p1 [sflag:s12], s11  }
0x18: {  	s14 =	ssub.s32 @!p1 $0x0, s11;
	s11 =	smov.u32 s9;
	[sflag:s12] =	ssyncset.done @!p1 $0x0  }
0x19: {  	s9 =	smov.u32 s10;
	s10 =	smov.u32 s13;
	[sflag:s12] =	ssyncadd.s32 @!p1 s14  }
.LBB1_1:
0x1a: {  	p1 =	sgt.u32 s8, $0x1F  }
0x1b: {  	s12 =	sxor.u32 @!p1 $0xFFFFFFFF, s8  }
0x1c: {  	s13 =	sshll.u32 @!p1 s10, $0xB;
	s12 =	sshll.u32 @!p1 s12, $0xE  }
0x1d: {  	s14 =	simm.s32 @!p1 $0x0;
	s13 =	sadd.s32 @!p1 s4, s13;
	s12 =	sand.u32 @!p1 $0x4000, s12  }
0x1e: {  	[tilespmem:s12], [sflag:$0x1] =	stream.linear.gather @!p1 [hbm4b:s13+s14], $0x4000, $0x38;
	[tilespmem:$0x10100] =	vst v63  }
0x1f: {  	p1 =	seq.s32 s8, $0x0  }
0x20: {  	p2 =	seq.s32 @!p1 s8, $0x21  }
0x21: {  	p1 =	por p1, p2  }
.Ltmp2:
0x22: {  	_ = 	snop;
	(pc) =	sbr.rel @p1 .LBB1_5-.Ltmp2, $1  }
0x23: {  	_ =	sdelay $0x3  }
0x24: {  	s12 =	simm.s32 $0x1  }
0x25: {  	_ =	swait.ge [sflag:s3], $0x4000;
	s12 =	simm.s32 @!p0 $0x0  }
0x26: {  	[sflag:s3] =	ssyncset.done $0x0;
	s13 =	sshll.u32 s12, $0xE  }
0x27: {  	[sflag:s3] =	ssyncadd.s32 $0xFFFFC000;
	s14 =	sor.u32 $0x40, s13  }
0x28: {  	s12 =	smul.u32 $0x10200, s12;
	v0 =	vld [tilespmem:s14+$0x30]  }
0x29: {  	v3 =	vld [tilespmem:s14+$0xFFFFFFD0]  }
0x2a: {  	s12 =	sshrl.u32 s12, $0x2;
	v4 =	vld [tilespmem:s14+$0xFFFFFFE0]  }
0x2b: {  	v5 =	vld [tilespmem:s14+$0xFFFFFFF0];
	s13 =	sor.u32 $0x8000, s12  }
0x2c: {  	s31 =	sand.u32 $0x1, s8;
	v1 =	vld [tilespmem:s14+$0x0];
	s15 =	sadd.s32 $0x0, s13  }
0x2d: {  	v2 =	vld [tilespmem:s14+$0x10];
	s12 =	smul.u32 $0x10200, s31;
	[tilespmem:s15+$0x3870 ss:$0x81] =	vst.msk $0xffff, v0  }
0x2e: {  	[tilespmem:s15+$0x810 ss:$0x81] =	vst.msk $0xffff, v3;
	v3 =	vld [tilespmem:s14+$0x20]  }
0x2f: {  	s12 =	sshrl.u32 s12, $0x2;
	v0 =	vld [tilespmem:s14+$0xFFFFFFC0];
	[tilespmem:s15+$0x1020 ss:$0x81] =	vst.msk $0xffff, v4;
	s14 =	sadd.s32 $0x80, s14  }
0x30: {  	s16 =	simm.s32 $0x4;
	s17 =	simm.s32 $0x8;
	s12 =	sor.u32 $0x8000, s12;
	[tilespmem:s15+$0x1830 ss:$0x81] =	vst.msk $0xffff, v5;
	v4 =	vld [tilespmem:s14+$0x30]  }
.LBB1_3:
0x31: {  	p1 =	sne.s32 s17, $0x1FC;
	v5 =	vld [tilespmem:s14+$0xFFFFFFD0];
	[tilespmem:s15+$0x2040 ss:$0x81] =	vst.msk $0xffff, v1  }
0x32: {  	v6 =	vld [tilespmem:s14+$0xFFFFFFE0];
	[tilespmem:s15+$0x2850 ss:$0x81] =	vst.msk $0xffff, v2  }
0x33: {  	s18 =	sshra.s32 s16, $0x2;
	s16 =	smov.u32 s17;
	v7 =	vld [tilespmem:s14+$0xFFFFFFF0];
	[tilespmem:s15+$0x3060 ss:$0x81] =	vst.msk $0xffff, v3  }
.Ltmp3:
0x34: {  	v1 =	vld [tilespmem:s14+$0x0];
	[tilespmem:s15+$0x0 ss:$0x81] =	vst.msk $0xffff, v0;
	s15 =	sadd.s32 s18, s13;
	(pc) =	sbr.rel @p1 .LBB1_3-.Ltmp3, $4  }
0x35: {  	v2 =	vld [tilespmem:s14+$0x10];
	[tilespmem:s15+$0x3870 ss:$0x81] =	vst.msk $0xffff, v4  }
0x36: {  	[tilespmem:s15+$0x810 ss:$0x81] =	vst.msk $0xffff, v5;
	v3 =	vld [tilespmem:s14+$0x20]  }
0x37: {  	v0 =	vld [tilespmem:s14+$0xFFFFFFC0];
	[tilespmem:s15+$0x1020 ss:$0x81] =	vst.msk $0xffff, v6;
	s14 =	sadd.s32 $0x80, s14  }
0x38: {  	s17 =	sadd.s32 $0x4, s17;
	v4 =	vld [tilespmem:s14+$0x30];
	[tilespmem:s15+$0x1830 ss:$0x81] =	vst.msk $0xffff, v7  }
0x39: {  	v5 =	vld [tilespmem:s14+$0xFFFFFFD0];
	[tilespmem:s15+$0x2040 ss:$0x81] =	vst.msk $0xffff, v1  }
0x3a: {  	v58 =	vld [tilespmem:s14+$0xFFFFFFE0];
	[tilespmem:s15+$0x2850 ss:$0x81] =	vst.msk $0xffff, v2  }
0x3b: {  	s16 =	sshra.s32 s16, $0x2;
	v59 =	vld [tilespmem:s14+$0xFFFFFFF0];
	p1 =	sgt.s32 s9, $0x3FF;
	[tilespmem:s15+$0x3060 ss:$0x81] =	vst.msk $0xffff, v3  }
0x3c: {  	v60 =	vld [tilespmem:s14+$0x0];
	s27 =	sshra.s32 s9, $0x1F;
	s13 =	sadd.s32 s16, s13;
	[tilespmem:s15+$0x0 ss:$0x81] =	vst.msk $0xffff, v0;
	s15 =	smov.u32 s9  }
0x3d: {  	v61 =	vld [tilespmem:s14+$0x10];
	s16 =	sand.u32 s27, s9;
	[tilespmem:s13+$0x3870 ss:$0x81] =	vst.msk $0xffff, v4;
	s15 =	simm.s32 @!p1 $0x3FF  }
0x3e: {  	v62 =	vld [tilespmem:s14+$0x20];
	[tilespmem:s13+$0x810 ss:$0x81] =	vst.msk $0xffff, v5;
	s28 =	ssub.s32 s15, s16  }
0x3f: {  	v63 =	vld [tilespmem:s14+$0xFFFFFFC0];
	[tilespmem:s13+$0x1020 ss:$0x81] =	vst.msk $0xffff, v58;
	s15 =	ssub.s32 $0x400, s28  }
0x40: {  	[tilespmem:s13+$0x1830 ss:$0x81] =	vst.msk $0xffff, v59;
	s15 =	smul.u32 $0xC800, s15  }
.Ltmp4:
0x41: {  	[tilespmem:s13+$0x2040 ss:$0x81] =	vst.msk $0xffff, v60;
	(pc) =	sbr.rel .LBB1_5-.Ltmp4, $4  }
0x42: {  	s29 =	sshll.u32 s9, $0x4;
	[tilespmem:s13+$0x2850 ss:$0x81] =	vst.msk $0xffff, v61;
	s14 =	sadd.s32 $0xFFFFFC01, s28  }
0x43: {  	s30 =	sand.u32 $0x3FF0, s29;
	[tilespmem:s13+$0x3060 ss:$0x81] =	vst.msk $0xffff, v62;
	p1 =	sgt.s32 s14, $0x0;
	s14 =	sshrl.u32 s15, $0x2  }
0x44: {  	s31 =	sadd.s32 s2, s30;
	[tilespmem:s13+$0x0 ss:$0x81] =	vst.msk $0xffff, v63;
	s14 =	simm.s32 @p1 $0x0  }
0x45: {  	[hbm4b:s31+s6] =	stream.strided.scatter [tilespmem:s12], [sflag:$0x2], s14, s7, s6, $0x20;
	[tilespmem:$0x10100] =	vst v63  }
.LBB1_6:
0x46: {  	_ =	sfence.sel $0x180000  }
0x47: {  	s2 =	simm.s32 $0x1;
	[bflag:$0x0] =	sbarrier.arrive $0xFFFF  }
0x48: {  	s31 =	simm.s32 $0x2;
	[sflag:s2] =	ssyncpa.u1 $0x1  }
0x49: {  	[sflag:s31] =	ssyncpa.u1 $0x1  }
0x4a: {  	p0 =	sne.s32 s1, $0x0;
	_ =	strace $0x9000004A  }
0x4b: {  	s0 =	sadd.s32 @!p0 $0x100000, s0;
	[bflag:$0x2] =	sbarrier.arrive $0xFFFF  }
0x4c: {  	[sflag:s0] =	ssyncadd.tile.s32 @!p0 $0x1;
	_ =	shalt  }
.Lfunc_end1:
_tile_overlayer_lowered:
.L_overlay_start_2:
0x4d: {  	(tag) =	ssettag $0x2  }
0x4e: {  	s0 =	rddreg [dreg:$0x0];
	s2 =	stileid.u32  }
0x4f: {  	s1 =	rddreg [dreg:$0x1];
	p0 =	sne.s32 s2, $0x0  }
0x50: {  	s3 =	rddreg [dreg:$0x2];
	[bflag:$0x3] =	sbarrier.arrive $0xFFFF;
	s2 =	simm.s32 @!p0 $0x1C01  }
0x51: {  	[timem:s3], [sflag:s2] =	dma.local @!p0 [hbm:s0], s1  }
0x52: {  	s0 =	simm.s32 @!p0 $0x1  }
0x53: {  	_ =	swait.ge @!p0 [sflag:s0], s1  }
0x54: {  	s1 =	ssub.s32 @!p0 $0x0, s1;
	[sflag:s0] =	ssyncset.done @!p0 $0x0  }
0x55: {  	[sflag:s0] =	ssyncadd.s32 @!p0 s1  }
0x56: {  	[bflag:$0x3] =	sbarrier.arrive $0xFFFF  }
0x57: {  	_ =	shalt  }

</sc_bundles>
